<compile_context>
chip_gen: v7x
topology: tpu7x:2x2x1
jax: 0.10.2.dev20260603
libtpu: 0.0.44.dev20260713+nightly
codegen_flags: <defaults>
</compile_context>

<pallas_src>
import functools

import jax
import jax.numpy as jnp
from jax import lax
from jax.experimental import pallas as pl
from jax.experimental.pallas import tpu as pltpu
from jax.experimental.pallas import tpu_sc as plsc

_E = 1024
_D = 64
_R = 32768
_TILE = 1024
_NT = _R // _TILE
_DECAY = 0.99
_EPS = 1e-05
_COMMIT = 0.25


def _stats_body(z_ref, w_ref, ecs_ref, ees_ref,
                idx_ref, uw_ref, loss_ref,
                cnt_acc, sum_acc, z2_acc, wneg_acc, wh2_acc):
    step = pl.program_id(0)

    @pl.when(step == 0)
    def _init():
        cnt_acc[...] = jnp.zeros_like(cnt_acc)
        sum_acc[...] = jnp.zeros_like(sum_acc)
        z2_acc[...] = jnp.zeros_like(z2_acc)
        w0 = w_ref[...]
        wneg_acc[...] = -w0
        wh2_acc[...] = 0.5 * jnp.sum(w0 * w0, axis=1, keepdims=True)

    rowid = lax.broadcasted_iota(jnp.int32, (_E, _TILE), 0)
    wneg = wneg_acc[...]
    wh2 = wh2_acc[...]
    for t in range(4):
        zT = z_ref[0, :, t, 0, :]
        distT = (lax.dot_general(wneg, zT, (((1,), (0,)), ((), ())))
                 + wh2)
        idx = jnp.argmin(distT, axis=0).astype(jnp.int32)
        idx_ref[0, t, :] = idx

        onehotT = (rowid == idx[None, :]).astype(jnp.float32)
        cnt_acc[...] += jnp.sum(onehotT, axis=1, keepdims=True)
        sum_acc[...] += lax.dot_general(onehotT, zT, (((1,), (1,)), ((), ())))
        z2_acc[...] += jnp.sum(zT * zT).reshape(1, 1)

    @pl.when(step == _NT // 4 - 1)
    def _fin():
        cnt = cnt_acc[...]
        new_cs = _DECAY * ecs_ref[...] + (1.0 - _DECAY) * cnt
        new_es = _DECAY * ees_ref[...] + (1.0 - _DECAY) * sum_acc[...]
        n = jnp.sum(new_cs)
        cs = (new_cs + _EPS) / (n + _E * _EPS) * n
        w_new = new_es / cs
        uw_ref[...] = jnp.concatenate(
            [w_new, jnp.zeros((_E, 128 - _D), jnp.float32)], axis=1)
        s_dot_w = jnp.sum(sum_acc[...] * w_new)
        c_w2 = jnp.sum(cnt * jnp.sum(w_new * w_new, axis=1, keepdims=True))
        total = z2_acc[...] - 2.0 * s_dot_w + c_w2
        loss_ref[...] = _COMMIT * total / float(_R * _D)


def _run_stats(z4, embedding_weight, ecs_col, ema_embed_sum):
    return pl.pallas_call(
        _stats_body,
        grid=(_NT // 4,),
        in_specs=[
            pl.BlockSpec((1, _D, 4, 1, _TILE), lambda i: (i // 2, 0, i % 2, 0, 0)),
            pl.BlockSpec((_E, _D), lambda i: (0, 0)),
            pl.BlockSpec((_E, 1), lambda i: (0, 0)),
            pl.BlockSpec((_E, _D), lambda i: (0, 0)),
        ],
        out_specs=[
            pl.BlockSpec((1, 4, _TILE), lambda i: (i, 0, 0)),
            pl.BlockSpec((_E, 128), lambda i: (0, 0)),
            pl.BlockSpec((1, 1), lambda i: (0, 0)),
        ],
        out_shape=[
            jax.ShapeDtypeStruct((_NT // 4, 4, _TILE), jnp.int32),
            jax.ShapeDtypeStruct((_E, 128), jnp.float32),
            jax.ShapeDtypeStruct((1, 1), jnp.float32),
        ],
        scratch_shapes=[
            pltpu.VMEM((_E, 1), jnp.float32),
            pltpu.VMEM((_E, _D), jnp.float32),
            pltpu.VMEM((1, 1), jnp.float32),
            pltpu.VMEM((_E, _D), jnp.float32),
            pltpu.VMEM((_E, 1), jnp.float32),
        ],
    )(z4, embedding_weight, ecs_col, ema_embed_sum)


def _run_sc_gather(table, idx_flat):
    info = plsc.get_sparse_core_info()
    nw = info.num_cores * info.num_subcores
    b_per_w = _R // nw
    n_chunks = b_per_w // 128
    half = n_chunks // 2
    mesh = plsc.VectorSubcoreMesh(core_axis_name="c", subcore_axis_name="s")

    @functools.partial(
        pl.kernel, mesh=mesh,
        out_type=jax.ShapeDtypeStruct((_R, 128), jnp.float32),
        scratch_types=[
            pltpu.VMEM((n_chunks, 128), jnp.int32),
            pltpu.VMEM((half * 128, 128), jnp.float32),
            pltpu.SemaphoreType.DMA,
        ],
    )
    def k(table_hbm, idx_hbm, out_hbm, idx_v, rows_v, sem):
        wid = lax.axis_index("s") * info.num_cores + lax.axis_index("c")
        base = wid * b_per_w
        pltpu.sync_copy(idx_hbm.at[pl.ds(wid * n_chunks, n_chunks)], idx_v)
        for h in range(2):
            copies = []
            for j in range(half):
                copies.append(pltpu.async_copy(
                    table_hbm.at[idx_v.at[h * half + j]],
                    rows_v.at[pl.ds(j * 128, 128)], sem))
            for c in copies:
                c.wait()
            pltpu.sync_copy(
                rows_v, out_hbm.at[pl.ds(base + h * half * 128, half * 128)])

    return k(table, idx_flat)


def kernel(z, embedding_weight, ema_cluster_size, ema_embed_sum):
    z4 = z.reshape(4, _D, 8, 1, _TILE)
    ecs_col = ema_cluster_size.reshape(_E, 1)

    idx3, updated_weight, loss = _run_stats(
        z4, embedding_weight, ecs_col, ema_embed_sum)

    z_q_flat = _run_sc_gather(updated_weight, idx3.reshape(_R // 128, 128))

    z_q = jnp.transpose(
        z_q_flat[:, :_D].reshape(4, 8, 32, 32, _D), (0, 4, 1, 2, 3))
    indices = idx3.reshape(4, 8, 32, 32)
    return z_q, loss.reshape(()), indices

# --- scband reference (transcript-rebuilt; emitter-appended) ---
"""Pipeline reference for scband-vector-quantizer-66477503807875 (READ-ONLY COPY).

The authoritative reference and input builder live on the scoring server;
editing this copy changes nothing except your own understanding.
"""

import jax, jax.numpy as jnp
import numpy as np

NUM_EMBEDDINGS = 1024
EMBEDDING_DIM = 64
COMMITMENT_COST = 0.25
DECAY = 0.99
EPSILON = 1e-05


def setup_inputs(seed: int = 0) -> dict:
    key = jax.random.key(seed)
    k1, k2 = jax.random.split(key, 2)
    # latent video tensor (B, C, D, H, W)
    z = jax.random.normal(k1, (4, 64, 8, 32, 32), dtype=jnp.float32)
    # codebook init ~ uniform(-1/sqrt(d), 1/sqrt(d)) like the torch module
    bound = 1.0 / (EMBEDDING_DIM ** 0.5)
    embedding_weight = jax.random.uniform(
        k2, (NUM_EMBEDDINGS, EMBEDDING_DIM), dtype=jnp.float32,
        minval=-bound, maxval=bound)
    ema_cluster_size = jnp.zeros((NUM_EMBEDDINGS,), dtype=jnp.float32)
    ema_embed_sum = embedding_weight.copy()
    return {
        "z": z,
        "embedding_weight": embedding_weight,
        "ema_cluster_size": ema_cluster_size,
        "ema_embed_sum": ema_embed_sum,
    }


def reference(z, embedding_weight, ema_cluster_size, ema_embed_sum):
    # (B, C, D, H, W) -> (B, D, H, W, C)
    z_p = jnp.transpose(z, (0, 2, 3, 4, 1))
    z_flat = z_p.reshape(-1, EMBEDDING_DIM)

    distances = (
        jnp.sum(z_flat ** 2, axis=1, keepdims=True)
        + jnp.sum(embedding_weight ** 2, axis=1)
        - 2.0 * jnp.matmul(z_flat, embedding_weight.T)
    )
    encoding_indices = jnp.argmin(distances, axis=1)

    # EMA codebook update (module default is training=True)
    batch_cluster_size = jnp.bincount(
        encoding_indices, length=NUM_EMBEDDINGS).astype(jnp.float32)
    new_ema_cluster_size = DECAY * ema_cluster_size + (1.0 - DECAY) * batch_cluster_size
    # (z_flat.T @ one_hot).T == segment_sum of z_flat by index
    batch_embed_sum = jax.ops.segment_sum(
        z_flat, encoding_indices, num_segments=NUM_EMBEDDINGS)
    new_ema_embed_sum = DECAY * ema_embed_sum + (1.0 - DECAY) * batch_embed_sum
    n = jnp.sum(new_ema_cluster_size)
    cluster_size = (new_ema_cluster_size + EPSILON) / (
        n + NUM_EMBEDDINGS * EPSILON) * n
    updated_weight = new_ema_embed_sum / cluster_size[:, None]

    z_q = jnp.take(updated_weight, encoding_indices, axis=0).reshape(z_p.shape)
    vq_loss = COMMITMENT_COST * jnp.mean((z_p - jax.lax.stop_gradient(z_q)) ** 2)
    # straight-through estimator
    z_q = z_p + jax.lax.stop_gradient(z_q - z_p)
    indices = encoding_indices.reshape(z_p.shape[:-1])
    z_q = jnp.transpose(z_q, (0, 4, 1, 2, 3))
    return z_q, vq_loss, indices

if __name__ == "__main__":
    import jax
    _d = setup_inputs()
    print(jax.jit(kernel)(*tuple(_d.values())))

</pallas_src>

<mosaic_0001>
#map = affine_map<(d0, d1) -> (0, 0)>
module attributes {stable_mosaic.version = 14 : i64} {
  func.func @k(%arg0: i32, %arg1: i32, %arg2: memref<1024x128xf32, #tpu.memory_space<hbm>>, %arg3: memref<256x128xi32, #tpu.memory_space<hbm>>, %arg4: memref<32768x128xf32, #tpu.memory_space<hbm>>, %arg5: memref<8x128xi32, #tpu.memory_space<vmem>>, %arg6: memref<512x128xf32, #tpu.memory_space<vmem>>, %arg7: memref<!tpu.dma_semaphore, #tpu.memory_space<semaphore_mem>>) attributes {dimension_semantics = [#tpu.dimension_semantics<core_parallel>, #tpu.dimension_semantics<subcore_parallel>], iteration_bounds = array<i64: 2, 16>, scalar_prefetch = 0 : i64, scratch_operands = 3 : i64, tpu.core_type = #tpu.core_type<sc_vector_subcore>, window_params = [{transform_indices = #map}, {transform_indices = #map}, {transform_indices = #map}]} {
    %mul3A = arith.constant 2 : i32
    %mul3A_0 = arith.muli %arg1, %mul3A : i32
    %add3A = arith.addi %mul3A_0, %arg0 : i32
    %mul3A_1 = arith.constant 1024 : i32
    %mul3A_2 = arith.muli %add3A, %mul3A_1 : i32
    %mul3A_3 = arith.constant 8 : i32
    %mul3A_4 = arith.muli %add3A, %mul3A_3 : i32
    "tpu.region"() ({
      %run_scoped3A = tpu.sem_alloc : memref<!tpu.dma_semaphore, #tpu.memory_space<semaphore_mem>>
      %dma_start3A_167 = arith.constant 0 : i32
      %dma_start3A_168 = tpu.memref_slice %arg3[%mul3A_4, %dma_start3A_167] : memref<256x128xi32, #tpu.memory_space<hbm>> -> memref<8x128xi32, #tpu.memory_space<hbm>>
      %dma_start3A_169 = arith.constant 0 : i32
      %dma_start3A_170 = tpu.memref_slice %arg3[%mul3A_4, %dma_start3A_169] : memref<256x128xi32, #tpu.memory_space<hbm>> -> memref<8x128xi32, #tpu.memory_space<hbm>>
      tpu.enqueue_dma source(%dma_start3A_170 : memref<8x128xi32, #tpu.memory_space<hbm>>) target(%arg5 : memref<8x128xi32, #tpu.memory_space<vmem>>) target_semaphore(%run_scoped3A : memref<!tpu.dma_semaphore, #tpu.memory_space<semaphore_mem>>)
      %dma_wait3A_171 = arith.constant 0 : i32
      %dma_wait3A_172 = tpu.memref_slice %arg3[%mul3A_4, %dma_wait3A_171] : memref<256x128xi32, #tpu.memory_space<hbm>> -> memref<8x128xi32, #tpu.memory_space<hbm>>
      %dma_wait3A_173 = arith.constant 0 : i32
      %dma_wait3A_174 = tpu.memref_slice %arg3[%mul3A_4, %dma_wait3A_173] : memref<256x128xi32, #tpu.memory_space<hbm>> -> memref<8x128xi32, #tpu.memory_space<hbm>>
      tpu.wait_dma2 semaphore(%run_scoped3A : memref<!tpu.dma_semaphore, #tpu.memory_space<semaphore_mem>>) src(%dma_wait3A_174 : memref<8x128xi32, #tpu.memory_space<hbm>>) dst(%arg5 : memref<8x128xi32, #tpu.memory_space<vmem>>)
      tpu.yield
    }) : () -> ()
    %dma_start3A = arith.constant 0 : i32
    %dma_start3A_5 = arith.constant 0 : i32
    %dma_start3A_6 = arith.constant 0 : i32
    %dma_start3A_7 = tpu.memref_slice %arg6[%dma_start3A_5, %dma_start3A_6] : memref<512x128xf32, #tpu.memory_space<vmem>> -> memref<128x128xf32, #tpu.memory_space<vmem>>
    %dma_start3A_8 = arith.constant 0 : i32
    %dma_start3A_9 = tpu.memref_slice %arg5[%dma_start3A, %dma_start3A_8] : memref<8x128xi32, #tpu.memory_space<vmem>> -> memref<1x128xi32, #tpu.memory_space<vmem>>
    %dma_start3A_10 = tpu.memref_squeeze %dma_start3A_9 : memref<1x128xi32, #tpu.memory_space<vmem>> -> memref<128xi32, #tpu.memory_space<vmem>>
    %dma_start3A_11 = arith.constant 0 : i32
    %dma_start3A_12 = arith.constant 0 : i32
    %dma_start3A_13 = tpu.memref_slice %arg2[%dma_start3A_11, %dma_start3A_12] : memref<1024x128xf32, #tpu.memory_space<hbm>> -> memref<1024x128xf32, #tpu.memory_space<hbm>>
    tpu.enqueue_indirect_dma source(%dma_start3A_13 : memref<1024x128xf32, #tpu.memory_space<hbm>>) target(%dma_start3A_7 : memref<128x128xf32, #tpu.memory_space<vmem>>) offsets(%dma_start3A_10 : memref<128xi32, #tpu.memory_space<vmem>>) semaphore(%arg7 : memref<!tpu.dma_semaphore, #tpu.memory_space<semaphore_mem>>)
    %dma_start3A_14 = arith.constant 1 : i32
    %dma_start3A_15 = arith.constant 128 : i32
    %dma_start3A_16 = arith.constant 0 : i32
    %dma_start3A_17 = tpu.memref_slice %arg6[%dma_start3A_15, %dma_start3A_16] : memref<512x128xf32, #tpu.memory_space<vmem>> -> memref<128x128xf32, #tpu.memory_space<vmem>>
    %dma_start3A_18 = arith.constant 0 : i32
    %dma_start3A_19 = tpu.memref_slice %arg5[%dma_start3A_14, %dma_start3A_18] : memref<8x128xi32, #tpu.memory_space<vmem>> -> memref<1x128xi32, #tpu.memory_space<vmem>>
    %dma_start3A_20 = tpu.memref_squeeze %dma_start3A_19 : memref<1x128xi32, #tpu.memory_space<vmem>> -> memref<128xi32, #tpu.memory_space<vmem>>
    %dma_start3A_21 = arith.constant 0 : i32
    %dma_start3A_22 = arith.constant 0 : i32
    %dma_start3A_23 = tpu.memref_slice %arg2[%dma_start3A_21, %dma_start3A_22] : memref<1024x128xf32, #tpu.memory_space<hbm>> -> memref<1024x128xf32, #tpu.memory_space<hbm>>
    tpu.enqueue_indirect_dma source(%dma_start3A_23 : memref<1024x128xf32, #tpu.memory_space<hbm>>) target(%dma_start3A_17 : memref<128x128xf32, #tpu.memory_space<vmem>>) offsets(%dma_start3A_20 : memref<128xi32, #tpu.memory_space<vmem>>) semaphore(%arg7 : memref<!tpu.dma_semaphore, #tpu.memory_space<semaphore_mem>>)
    %dma_start3A_24 = arith.constant 2 : i32
    %dma_start3A_25 = arith.constant 256 : i32
    %dma_start3A_26 = arith.constant 0 : i32
    %dma_start3A_27 = tpu.memref_slice %arg6[%dma_start3A_25, %dma_start3A_26] : memref<512x128xf32, #tpu.memory_space<vmem>> -> memref<128x128xf32, #tpu.memory_space<vmem>>
    %dma_start3A_28 = arith.constant 0 : i32
    %dma_start3A_29 = tpu.memref_slice %arg5[%dma_start3A_24, %dma_start3A_28] : memref<8x128xi32, #tpu.memory_space<vmem>> -> memref<1x128xi32, #tpu.memory_space<vmem>>
    %dma_start3A_30 = tpu.memref_squeeze %dma_start3A_29 : memref<1x128xi32, #tpu.memory_space<vmem>> -> memref<128xi32, #tpu.memory_space<vmem>>
    %dma_start3A_31 = arith.constant 0 : i32
    %dma_start3A_32 = arith.constant 0 : i32
    %dma_start3A_33 = tpu.memref_slice %arg2[%dma_start3A_31, %dma_start3A_32] : memref<1024x128xf32, #tpu.memory_space<hbm>> -> memref<1024x128xf32, #tpu.memory_space<hbm>>
    tpu.enqueue_indirect_dma source(%dma_start3A_33 : memref<1024x128xf32, #tpu.memory_space<hbm>>) target(%dma_start3A_27 : memref<128x128xf32, #tpu.memory_space<vmem>>) offsets(%dma_start3A_30 : memref<128xi32, #tpu.memory_space<vmem>>) semaphore(%arg7 : memref<!tpu.dma_semaphore, #tpu.memory_space<semaphore_mem>>)
    %dma_start3A_34 = arith.constant 3 : i32
    %dma_start3A_35 = arith.constant 384 : i32
    %dma_start3A_36 = arith.constant 0 : i32
    %dma_start3A_37 = tpu.memref_slice %arg6[%dma_start3A_35, %dma_start3A_36] : memref<512x128xf32, #tpu.memory_space<vmem>> -> memref<128x128xf32, #tpu.memory_space<vmem>>
    %dma_start3A_38 = arith.constant 0 : i32
    %dma_start3A_39 = tpu.memref_slice %arg5[%dma_start3A_34, %dma_start3A_38] : memref<8x128xi32, #tpu.memory_space<vmem>> -> memref<1x128xi32, #tpu.memory_space<vmem>>
    %dma_start3A_40 = tpu.memref_squeeze %dma_start3A_39 : memref<1x128xi32, #tpu.memory_space<vmem>> -> memref<128xi32, #tpu.memory_space<vmem>>
    %dma_start3A_41 = arith.constant 0 : i32
    %dma_start3A_42 = arith.constant 0 : i32
    %dma_start3A_43 = tpu.memref_slice %arg2[%dma_start3A_41, %dma_start3A_42] : memref<1024x128xf32, #tpu.memory_space<hbm>> -> memref<1024x128xf32, #tpu.memory_space<hbm>>
    tpu.enqueue_indirect_dma source(%dma_start3A_43 : memref<1024x128xf32, #tpu.memory_space<hbm>>) target(%dma_start3A_37 : memref<128x128xf32, #tpu.memory_space<vmem>>) offsets(%dma_start3A_40 : memref<128xi32, #tpu.memory_space<vmem>>) semaphore(%arg7 : memref<!tpu.dma_semaphore, #tpu.memory_space<semaphore_mem>>)
    %dma_wait3A = arith.constant 0 : i32
    %dma_wait3A_44 = arith.constant 0 : i32
    %dma_wait3A_45 = arith.constant 0 : i32
    %dma_wait3A_46 = tpu.memref_slice %arg6[%dma_wait3A_44, %dma_wait3A_45] : memref<512x128xf32, #tpu.memory_space<vmem>> -> memref<128x128xf32, #tpu.memory_space<vmem>>
    %dma_wait3A_47 = arith.constant 0 : i32
    %dma_wait3A_48 = tpu.memref_slice %arg5[%dma_wait3A, %dma_wait3A_47] : memref<8x128xi32, #tpu.memory_space<vmem>> -> memref<1x128xi32, #tpu.memory_space<vmem>>
    %dma_wait3A_49 = tpu.memref_squeeze %dma_wait3A_48 : memref<1x128xi32, #tpu.memory_space<vmem>> -> memref<128xi32, #tpu.memory_space<vmem>>
    %dma_wait3A_50 = arith.constant 0 : i32
    %dma_wait3A_51 = arith.constant 0 : i32
    %dma_wait3A_52 = tpu.memref_slice %arg2[%dma_wait3A_50, %dma_wait3A_51] : memref<1024x128xf32, #tpu.memory_space<hbm>> -> memref<1024x128xf32, #tpu.memory_space<hbm>>
    tpu.wait_indirect_dma semaphore(%arg7 : memref<!tpu.dma_semaphore, #tpu.memory_space<semaphore_mem>>) src(%dma_wait3A_52 : memref<1024x128xf32, #tpu.memory_space<hbm>>) dst(%dma_wait3A_46 : memref<128x128xf32, #tpu.memory_space<vmem>>)
    %dma_wait3A_53 = arith.constant 1 : i32
    %dma_wait3A_54 = arith.constant 128 : i32
    %dma_wait3A_55 = arith.constant 0 : i32
    %dma_wait3A_56 = tpu.memref_slice %arg6[%dma_wait3A_54, %dma_wait3A_55] : memref<512x128xf32, #tpu.memory_space<vmem>> -> memref<128x128xf32, #tpu.memory_space<vmem>>
    %dma_wait3A_57 = arith.constant 0 : i32
    %dma_wait3A_58 = tpu.memref_slice %arg5[%dma_wait3A_53, %dma_wait3A_57] : memref<8x128xi32, #tpu.memory_space<vmem>> -> memref<1x128xi32, #tpu.memory_space<vmem>>
    %dma_wait3A_59 = tpu.memref_squeeze %dma_wait3A_58 : memref<1x128xi32, #tpu.memory_space<vmem>> -> memref<128xi32, #tpu.memory_space<vmem>>
    %dma_wait3A_60 = arith.constant 0 : i32
    %dma_wait3A_61 = arith.constant 0 : i32
    %dma_wait3A_62 = tpu.memref_slice %arg2[%dma_wait3A_60, %dma_wait3A_61] : memref<1024x128xf32, #tpu.memory_space<hbm>> -> memref<1024x128xf32, #tpu.memory_space<hbm>>
    tpu.wait_indirect_dma semaphore(%arg7 : memref<!tpu.dma_semaphore, #tpu.memory_space<semaphore_mem>>) src(%dma_wait3A_62 : memref<1024x128xf32, #tpu.memory_space<hbm>>) dst(%dma_wait3A_56 : memref<128x128xf32, #tpu.memory_space<vmem>>)
    %dma_wait3A_63 = arith.constant 2 : i32
    %dma_wait3A_64 = arith.constant 256 : i32
    %dma_wait3A_65 = arith.constant 0 : i32
    %dma_wait3A_66 = tpu.memref_slice %arg6[%dma_wait3A_64, %dma_wait3A_65] : memref<512x128xf32, #tpu.memory_space<vmem>> -> memref<128x128xf32, #tpu.memory_space<vmem>>
    %dma_wait3A_67 = arith.constant 0 : i32
    %dma_wait3A_68 = tpu.memref_slice %arg5[%dma_wait3A_63, %dma_wait3A_67] : memref<8x128xi32, #tpu.memory_space<vmem>> -> memref<1x128xi32, #tpu.memory_space<vmem>>
    %dma_wait3A_69 = tpu.memref_squeeze %dma_wait3A_68 : memref<1x128xi32, #tpu.memory_space<vmem>> -> memref<128xi32, #tpu.memory_space<vmem>>
    %dma_wait3A_70 = arith.constant 0 : i32
    %dma_wait3A_71 = arith.constant 0 : i32
    %dma_wait3A_72 = tpu.memref_slice %arg2[%dma_wait3A_70, %dma_wait3A_71] : memref<1024x128xf32, #tpu.memory_space<hbm>> -> memref<1024x128xf32, #tpu.memory_space<hbm>>
    tpu.wait_indirect_dma semaphore(%arg7 : memref<!tpu.dma_semaphore, #tpu.memory_space<semaphore_mem>>) src(%dma_wait3A_72 : memref<1024x128xf32, #tpu.memory_space<hbm>>) dst(%dma_wait3A_66 : memref<128x128xf32, #tpu.memory_space<vmem>>)
    %dma_wait3A_73 = arith.constant 3 : i32
    %dma_wait3A_74 = arith.constant 384 : i32
    %dma_wait3A_75 = arith.constant 0 : i32
    %dma_wait3A_76 = tpu.memref_slice %arg6[%dma_wait3A_74, %dma_wait3A_75] : memref<512x128xf32, #tpu.memory_space<vmem>> -> memref<128x128xf32, #tpu.memory_space<vmem>>
    %dma_wait3A_77 = arith.constant 0 : i32
    %dma_wait3A_78 = tpu.memref_slice %arg5[%dma_wait3A_73, %dma_wait3A_77] : memref<8x128xi32, #tpu.memory_space<vmem>> -> memref<1x128xi32, #tpu.memory_space<vmem>>
    %dma_wait3A_79 = tpu.memref_squeeze %dma_wait3A_78 : memref<1x128xi32, #tpu.memory_space<vmem>> -> memref<128xi32, #tpu.memory_space<vmem>>
    %dma_wait3A_80 = arith.constant 0 : i32
    %dma_wait3A_81 = arith.constant 0 : i32
    %dma_wait3A_82 = tpu.memref_slice %arg2[%dma_wait3A_80, %dma_wait3A_81] : memref<1024x128xf32, #tpu.memory_space<hbm>> -> memref<1024x128xf32, #tpu.memory_space<hbm>>
    tpu.wait_indirect_dma semaphore(%arg7 : memref<!tpu.dma_semaphore, #tpu.memory_space<semaphore_mem>>) src(%dma_wait3A_82 : memref<1024x128xf32, #tpu.memory_space<hbm>>) dst(%dma_wait3A_76 : memref<128x128xf32, #tpu.memory_space<vmem>>)
    %add3A_83 = arith.constant 0 : i32
    %add3A_84 = arith.addi %mul3A_2, %add3A_83 : i32
    "tpu.region"() ({
      %run_scoped3A = tpu.sem_alloc : memref<!tpu.dma_semaphore, #tpu.memory_space<semaphore_mem>>
      %dma_start3A_167 = arith.constant 0 : i32
      %dma_start3A_168 = tpu.memref_slice %arg4[%add3A_84, %dma_start3A_167] : memref<32768x128xf32, #tpu.memory_space<hbm>> -> memref<512x128xf32, #tpu.memory_space<hbm>>
      %dma_start3A_169 = arith.constant 0 : i32
      %dma_start3A_170 = tpu.memref_slice %arg4[%add3A_84, %dma_start3A_169] : memref<32768x128xf32, #tpu.memory_space<hbm>> -> memref<512x128xf32, #tpu.memory_space<hbm>>
      tpu.enqueue_dma source(%arg6 : memref<512x128xf32, #tpu.memory_space<vmem>>) target(%dma_start3A_170 : memref<512x128xf32, #tpu.memory_space<hbm>>) target_semaphore(%run_scoped3A : memref<!tpu.dma_semaphore, #tpu.memory_space<semaphore_mem>>)
      %dma_wait3A_171 = arith.constant 0 : i32
      %dma_wait3A_172 = tpu.memref_slice %arg4[%add3A_84, %dma_wait3A_171] : memref<32768x128xf32, #tpu.memory_space<hbm>> -> memref<512x128xf32, #tpu.memory_space<hbm>>
      %dma_wait3A_173 = arith.constant 0 : i32
      %dma_wait3A_174 = tpu.memref_slice %arg4[%add3A_84, %dma_wait3A_173] : memref<32768x128xf32, #tpu.memory_space<hbm>> -> memref<512x128xf32, #tpu.memory_space<hbm>>
      tpu.wait_dma2 semaphore(%run_scoped3A : memref<!tpu.dma_semaphore, #tpu.memory_space<semaphore_mem>>) src(%arg6 : memref<512x128xf32, #tpu.memory_space<vmem>>) dst(%dma_wait3A_174 : memref<512x128xf32, #tpu.memory_space<hbm>>)
      tpu.yield
    }) : () -> ()
    %dma_start3A_85 = arith.constant 4 : i32
    %dma_start3A_86 = arith.constant 0 : i32
    %dma_start3A_87 = arith.constant 0 : i32
    %dma_start3A_88 = tpu.memref_slice %arg6[%dma_start3A_86, %dma_start3A_87] : memref<512x128xf32, #tpu.memory_space<vmem>> -> memref<128x128xf32, #tpu.memory_space<vmem>>
    %dma_start3A_89 = arith.constant 0 : i32
    %dma_start3A_90 = tpu.memref_slice %arg5[%dma_start3A_85, %dma_start3A_89] : memref<8x128xi32, #tpu.memory_space<vmem>> -> memref<1x128xi32, #tpu.memory_space<vmem>>
    %dma_start3A_91 = tpu.memref_squeeze %dma_start3A_90 : memref<1x128xi32, #tpu.memory_space<vmem>> -> memref<128xi32, #tpu.memory_space<vmem>>
    %dma_start3A_92 = arith.constant 0 : i32
    %dma_start3A_93 = arith.constant 0 : i32
    %dma_start3A_94 = tpu.memref_slice %arg2[%dma_start3A_92, %dma_start3A_93] : memref<1024x128xf32, #tpu.memory_space<hbm>> -> memref<1024x128xf32, #tpu.memory_space<hbm>>
    tpu.enqueue_indirect_dma source(%dma_start3A_94 : memref<1024x128xf32, #tpu.memory_space<hbm>>) target(%dma_start3A_88 : memref<128x128xf32, #tpu.memory_space<vmem>>) offsets(%dma_start3A_91 : memref<128xi32, #tpu.memory_space<vmem>>) semaphore(%arg7 : memref<!tpu.dma_semaphore, #tpu.memory_space<semaphore_mem>>)
    %dma_start3A_95 = arith.constant 5 : i32
    %dma_start3A_96 = arith.constant 128 : i32
    %dma_start3A_97 = arith.constant 0 : i32
    %dma_start3A_98 = tpu.memref_slice %arg6[%dma_start3A_96, %dma_start3A_97] : memref<512x128xf32, #tpu.memory_space<vmem>> -> memref<128x128xf32, #tpu.memory_space<vmem>>
    %dma_start3A_99 = arith.constant 0 : i32
    %dma_start3A_100 = tpu.memref_slice %arg5[%dma_start3A_95, %dma_start3A_99] : memref<8x128xi32, #tpu.memory_space<vmem>> -> memref<1x128xi32, #tpu.memory_space<vmem>>
    %dma_start3A_101 = tpu.memref_squeeze %dma_start3A_100 : memref<1x128xi32, #tpu.memory_space<vmem>> -> memref<128xi32, #tpu.memory_space<vmem>>
    %dma_start3A_102 = arith.constant 0 : i32
    %dma_start3A_103 = arith.constant 0 : i32
    %dma_start3A_104 = tpu.memref_slice %arg2[%dma_start3A_102, %dma_start3A_103] : memref<1024x128xf32, #tpu.memory_space<hbm>> -> memref<1024x128xf32, #tpu.memory_space<hbm>>
    tpu.enqueue_indirect_dma source(%dma_start3A_104 : memref<1024x128xf32, #tpu.memory_space<hbm>>) target(%dma_start3A_98 : memref<128x128xf32, #tpu.memory_space<vmem>>) offsets(%dma_start3A_101 : memref<128xi32, #tpu.memory_space<vmem>>) semaphore(%arg7 : memref<!tpu.dma_semaphore, #tpu.memory_space<semaphore_mem>>)
    %dma_start3A_105 = arith.constant 6 : i32
    %dma_start3A_106 = arith.constant 256 : i32
    %dma_start3A_107 = arith.constant 0 : i32
    %dma_start3A_108 = tpu.memref_slice %arg6[%dma_start3A_106, %dma_start3A_107] : memref<512x128xf32, #tpu.memory_space<vmem>> -> memref<128x128xf32, #tpu.memory_space<vmem>>
    %dma_start3A_109 = arith.constant 0 : i32
    %dma_start3A_110 = tpu.memref_slice %arg5[%dma_start3A_105, %dma_start3A_109] : memref<8x128xi32, #tpu.memory_space<vmem>> -> memref<1x128xi32, #tpu.memory_space<vmem>>
    %dma_start3A_111 = tpu.memref_squeeze %dma_start3A_110 : memref<1x128xi32, #tpu.memory_space<vmem>> -> memref<128xi32, #tpu.memory_space<vmem>>
    %dma_start3A_112 = arith.constant 0 : i32
    %dma_start3A_113 = arith.constant 0 : i32
    %dma_start3A_114 = tpu.memref_slice %arg2[%dma_start3A_112, %dma_start3A_113] : memref<1024x128xf32, #tpu.memory_space<hbm>> -> memref<1024x128xf32, #tpu.memory_space<hbm>>
    tpu.enqueue_indirect_dma source(%dma_start3A_114 : memref<1024x128xf32, #tpu.memory_space<hbm>>) target(%dma_start3A_108 : memref<128x128xf32, #tpu.memory_space<vmem>>) offsets(%dma_start3A_111 : memref<128xi32, #tpu.memory_space<vmem>>) semaphore(%arg7 : memref<!tpu.dma_semaphore, #tpu.memory_space<semaphore_mem>>)
    %dma_start3A_115 = arith.constant 7 : i32
    %dma_start3A_116 = arith.constant 384 : i32
    %dma_start3A_117 = arith.constant 0 : i32
    %dma_start3A_118 = tpu.memref_slice %arg6[%dma_start3A_116, %dma_start3A_117] : memref<512x128xf32, #tpu.memory_space<vmem>> -> memref<128x128xf32, #tpu.memory_space<vmem>>
    %dma_start3A_119 = arith.constant 0 : i32
    %dma_start3A_120 = tpu.memref_slice %arg5[%dma_start3A_115, %dma_start3A_119] : memref<8x128xi32, #tpu.memory_space<vmem>> -> memref<1x128xi32, #tpu.memory_space<vmem>>
    %dma_start3A_121 = tpu.memref_squeeze %dma_start3A_120 : memref<1x128xi32, #tpu.memory_space<vmem>> -> memref<128xi32, #tpu.memory_space<vmem>>
    %dma_start3A_122 = arith.constant 0 : i32
    %dma_start3A_123 = arith.constant 0 : i32
    %dma_start3A_124 = tpu.memref_slice %arg2[%dma_start3A_122, %dma_start3A_123] : memref<1024x128xf32, #tpu.memory_space<hbm>> -> memref<1024x128xf32, #tpu.memory_space<hbm>>
    tpu.enqueue_indirect_dma source(%dma_start3A_124 : memref<1024x128xf32, #tpu.memory_space<hbm>>) target(%dma_start3A_118 : memref<128x128xf32, #tpu.memory_space<vmem>>) offsets(%dma_start3A_121 : memref<128xi32, #tpu.memory_space<vmem>>) semaphore(%arg7 : memref<!tpu.dma_semaphore, #tpu.memory_space<semaphore_mem>>)
    %dma_wait3A_125 = arith.constant 4 : i32
    %dma_wait3A_126 = arith.constant 0 : i32
    %dma_wait3A_127 = arith.constant 0 : i32
    %dma_wait3A_128 = tpu.memref_slice %arg6[%dma_wait3A_126, %dma_wait3A_127] : memref<512x128xf32, #tpu.memory_space<vmem>> -> memref<128x128xf32, #tpu.memory_space<vmem>>
    %dma_wait3A_129 = arith.constant 0 : i32
    %dma_wait3A_130 = tpu.memref_slice %arg5[%dma_wait3A_125, %dma_wait3A_129] : memref<8x128xi32, #tpu.memory_space<vmem>> -> memref<1x128xi32, #tpu.memory_space<vmem>>
    %dma_wait3A_131 = tpu.memref_squeeze %dma_wait3A_130 : memref<1x128xi32, #tpu.memory_space<vmem>> -> memref<128xi32, #tpu.memory_space<vmem>>
    %dma_wait3A_132 = arith.constant 0 : i32
    %dma_wait3A_133 = arith.constant 0 : i32
    %dma_wait3A_134 = tpu.memref_slice %arg2[%dma_wait3A_132, %dma_wait3A_133] : memref<1024x128xf32, #tpu.memory_space<hbm>> -> memref<1024x128xf32, #tpu.memory_space<hbm>>
    tpu.wait_indirect_dma semaphore(%arg7 : memref<!tpu.dma_semaphore, #tpu.memory_space<semaphore_mem>>) src(%dma_wait3A_134 : memref<1024x128xf32, #tpu.memory_space<hbm>>) dst(%dma_wait3A_128 : memref<128x128xf32, #tpu.memory_space<vmem>>)
    %dma_wait3A_135 = arith.constant 5 : i32
    %dma_wait3A_136 = arith.constant 128 : i32
    %dma_wait3A_137 = arith.constant 0 : i32
    %dma_wait3A_138 = tpu.memref_slice %arg6[%dma_wait3A_136, %dma_wait3A_137] : memref<512x128xf32, #tpu.memory_space<vmem>> -> memref<128x128xf32, #tpu.memory_space<vmem>>
    %dma_wait3A_139 = arith.constant 0 : i32
    %dma_wait3A_140 = tpu.memref_slice %arg5[%dma_wait3A_135, %dma_wait3A_139] : memref<8x128xi32, #tpu.memory_space<vmem>> -> memref<1x128xi32, #tpu.memory_space<vmem>>
    %dma_wait3A_141 = tpu.memref_squeeze %dma_wait3A_140 : memref<1x128xi32, #tpu.memory_space<vmem>> -> memref<128xi32, #tpu.memory_space<vmem>>
    %dma_wait3A_142 = arith.constant 0 : i32
    %dma_wait3A_143 = arith.constant 0 : i32
    %dma_wait3A_144 = tpu.memref_slice %arg2[%dma_wait3A_142, %dma_wait3A_143] : memref<1024x128xf32, #tpu.memory_space<hbm>> -> memref<1024x128xf32, #tpu.memory_space<hbm>>
    tpu.wait_indirect_dma semaphore(%arg7 : memref<!tpu.dma_semaphore, #tpu.memory_space<semaphore_mem>>) src(%dma_wait3A_144 : memref<1024x128xf32, #tpu.memory_space<hbm>>) dst(%dma_wait3A_138 : memref<128x128xf32, #tpu.memory_space<vmem>>)
    %dma_wait3A_145 = arith.constant 6 : i32
    %dma_wait3A_146 = arith.constant 256 : i32
    %dma_wait3A_147 = arith.constant 0 : i32
    %dma_wait3A_148 = tpu.memref_slice %arg6[%dma_wait3A_146, %dma_wait3A_147] : memref<512x128xf32, #tpu.memory_space<vmem>> -> memref<128x128xf32, #tpu.memory_space<vmem>>
    %dma_wait3A_149 = arith.constant 0 : i32
    %dma_wait3A_150 = tpu.memref_slice %arg5[%dma_wait3A_145, %dma_wait3A_149] : memref<8x128xi32, #tpu.memory_space<vmem>> -> memref<1x128xi32, #tpu.memory_space<vmem>>
    %dma_wait3A_151 = tpu.memref_squeeze %dma_wait3A_150 : memref<1x128xi32, #tpu.memory_space<vmem>> -> memref<128xi32, #tpu.memory_space<vmem>>
    %dma_wait3A_152 = arith.constant 0 : i32
    %dma_wait3A_153 = arith.constant 0 : i32
    %dma_wait3A_154 = tpu.memref_slice %arg2[%dma_wait3A_152, %dma_wait3A_153] : memref<1024x128xf32, #tpu.memory_space<hbm>> -> memref<1024x128xf32, #tpu.memory_space<hbm>>
    tpu.wait_indirect_dma semaphore(%arg7 : memref<!tpu.dma_semaphore, #tpu.memory_space<semaphore_mem>>) src(%dma_wait3A_154 : memref<1024x128xf32, #tpu.memory_space<hbm>>) dst(%dma_wait3A_148 : memref<128x128xf32, #tpu.memory_space<vmem>>)
    %dma_wait3A_155 = arith.constant 7 : i32
    %dma_wait3A_156 = arith.constant 384 : i32
    %dma_wait3A_157 = arith.constant 0 : i32
    %dma_wait3A_158 = tpu.memref_slice %arg6[%dma_wait3A_156, %dma_wait3A_157] : memref<512x128xf32, #tpu.memory_space<vmem>> -> memref<128x128xf32, #tpu.memory_space<vmem>>
    %dma_wait3A_159 = arith.constant 0 : i32
    %dma_wait3A_160 = tpu.memref_slice %arg5[%dma_wait3A_155, %dma_wait3A_159] : memref<8x128xi32, #tpu.memory_space<vmem>> -> memref<1x128xi32, #tpu.memory_space<vmem>>
    %dma_wait3A_161 = tpu.memref_squeeze %dma_wait3A_160 : memref<1x128xi32, #tpu.memory_space<vmem>> -> memref<128xi32, #tpu.memory_space<vmem>>
    %dma_wait3A_162 = arith.constant 0 : i32
    %dma_wait3A_163 = arith.constant 0 : i32
    %dma_wait3A_164 = tpu.memref_slice %arg2[%dma_wait3A_162, %dma_wait3A_163] : memref<1024x128xf32, #tpu.memory_space<hbm>> -> memref<1024x128xf32, #tpu.memory_space<hbm>>
    tpu.wait_indirect_dma semaphore(%arg7 : memref<!tpu.dma_semaphore, #tpu.memory_space<semaphore_mem>>) src(%dma_wait3A_164 : memref<1024x128xf32, #tpu.memory_space<hbm>>) dst(%dma_wait3A_158 : memref<128x128xf32, #tpu.memory_space<vmem>>)
    %add3A_165 = arith.constant 512 : i32
    %add3A_166 = arith.addi %mul3A_2, %add3A_165 : i32
    "tpu.region"() ({
      %run_scoped3A = tpu.sem_alloc : memref<!tpu.dma_semaphore, #tpu.memory_space<semaphore_mem>>
      %dma_start3A_167 = arith.constant 0 : i32
      %dma_start3A_168 = tpu.memref_slice %arg4[%add3A_166, %dma_start3A_167] : memref<32768x128xf32, #tpu.memory_space<hbm>> -> memref<512x128xf32, #tpu.memory_space<hbm>>
      %dma_start3A_169 = arith.constant 0 : i32
      %dma_start3A_170 = tpu.memref_slice %arg4[%add3A_166, %dma_start3A_169] : memref<32768x128xf32, #tpu.memory_space<hbm>> -> memref<512x128xf32, #tpu.memory_space<hbm>>
      tpu.enqueue_dma source(%arg6 : memref<512x128xf32, #tpu.memory_space<vmem>>) target(%dma_start3A_170 : memref<512x128xf32, #tpu.memory_space<hbm>>) target_semaphore(%run_scoped3A : memref<!tpu.dma_semaphore, #tpu.memory_space<semaphore_mem>>)
      %dma_wait3A_171 = arith.constant 0 : i32
      %dma_wait3A_172 = tpu.memref_slice %arg4[%add3A_166, %dma_wait3A_171] : memref<32768x128xf32, #tpu.memory_space<hbm>> -> memref<512x128xf32, #tpu.memory_space<hbm>>
      %dma_wait3A_173 = arith.constant 0 : i32
      %dma_wait3A_174 = tpu.memref_slice %arg4[%add3A_166, %dma_wait3A_173] : memref<32768x128xf32, #tpu.memory_space<hbm>> -> memref<512x128xf32, #tpu.memory_space<hbm>>
      tpu.wait_dma2 semaphore(%run_scoped3A : memref<!tpu.dma_semaphore, #tpu.memory_space<semaphore_mem>>) src(%arg6 : memref<512x128xf32, #tpu.memory_space<vmem>>) dst(%dma_wait3A_174 : memref<512x128xf32, #tpu.memory_space<hbm>>)
      tpu.yield
    }) : () -> ()
    return
  }
}

module attributes {stable_mosaic.version = 14 : i64} {
  func.func @_stats_body(%arg0: i32, %arg1: memref<1x64x4x1x1024xf32, #tpu.memory_space<vmem>>, %arg2: memref<1024x64xf32, #tpu.memory_space<vmem>>, %arg3: memref<1024x1xf32, #tpu.memory_space<vmem>>, %arg4: memref<1024x64xf32, #tpu.memory_space<vmem>>, %arg5: memref<1x4x1024xi32, #tpu.memory_space<vmem>>, %arg6: memref<1024x128xf32, #tpu.memory_space<vmem>>, %arg7: memref<1x1xf32, #tpu.memory_space<vmem>>, %arg8: memref<1024x1xf32, #tpu.memory_space<vmem>>, %arg9: memref<1024x64xf32, #tpu.memory_space<vmem>>, %arg10: memref<1x1xf32, #tpu.memory_space<vmem>>, %arg11: memref<1024x64xf32, #tpu.memory_space<vmem>>, %arg12: memref<1024x1xf32, #tpu.memory_space<vmem>>) attributes {dimension_semantics = [#tpu.dimension_semantics<arbitrary>], iteration_bounds = array<i64: 8>, scalar_prefetch = 0 : i64, scratch_operands = 5 : i64, tpu.core_type = #tpu.core_type<tc>, window_params = [{transform_indices = @transform_0, window_bounds = array<i64: 1, 64, 4, 1, 1024>}, {pipeline_mode = #tpu.pipeline_mode<synchronous>, transform_indices = @transform_1, window_bounds = array<i64: 1024, 64>}, {pipeline_mode = #tpu.pipeline_mode<synchronous>, transform_indices = @transform_2, window_bounds = array<i64: 1024, 1>}, {pipeline_mode = #tpu.pipeline_mode<synchronous>, transform_indices = @transform_3, window_bounds = array<i64: 1024, 64>}, {transform_indices = @transform_4, window_bounds = array<i64: 1, 4, 1024>}, {pipeline_mode = #tpu.pipeline_mode<synchronous>, transform_indices = @transform_5, window_bounds = array<i64: 1024, 128>}, {pipeline_mode = #tpu.pipeline_mode<synchronous>, transform_indices = @transform_6, window_bounds = array<i64: 1, 1>}]} {
    %eq3A = arith.constant 0 : i32
    %eq3A_0 = arith.cmpi eq, %arg0, %eq3A : i32
    %convert_element_type3A = arith.extui %eq3A_0 : i1 to i32
    %cond3A = arith.constant 0 : i32
    %cond3A_1 = arith.cmpi ne, %convert_element_type3A, %cond3A : i32
    scf.if %cond3A_1 {
      %broadcast_in_dim3A_228 = arith.constant 0.000000e+00 : f32
      %broadcast_in_dim3A_229 = vector.broadcast %broadcast_in_dim3A_228 : f32 to vector<1024x1xf32>
      %swap3A_230 = arith.constant 0 : index
      %swap3A_231 = arith.constant 0 : index
      %swap3A_232 = vector.load %arg8[%swap3A_230, %swap3A_231] : memref<1024x1xf32, #tpu.memory_space<vmem>>, vector<1024x1xf32>
      tpu.vector_store %arg8[%swap3A_230, %swap3A_231], %broadcast_in_dim3A_229 {strides = array<i32>} : memref<1024x1xf32, #tpu.memory_space<vmem>>, vector<1024x1xf32>,
      %broadcast_in_dim3A_233 = arith.constant 0.000000e+00 : f32
      %broadcast_in_dim3A_234 = vector.broadcast %broadcast_in_dim3A_233 : f32 to vector<1024x64xf32>
      %swap3A_235 = arith.constant 0 : index
      %swap3A_236 = arith.constant 0 : index
      %swap3A_237 = vector.load %arg9[%swap3A_235, %swap3A_236] : memref<1024x64xf32, #tpu.memory_space<vmem>>, vector<1024x64xf32>
      tpu.vector_store %arg9[%swap3A_235, %swap3A_236], %broadcast_in_dim3A_234 {strides = array<i32>} : memref<1024x64xf32, #tpu.memory_space<vmem>>, vector<1024x64xf32>,
      %broadcast_in_dim3A_238 = arith.constant 0.000000e+00 : f32
      %broadcast_in_dim3A_239 = vector.broadcast %broadcast_in_dim3A_238 : f32 to vector<1x1xf32>
      %swap3A_240 = arith.constant 0 : index
      %swap3A_241 = arith.constant 0 : index
      %swap3A_242 = vector.load %arg10[%swap3A_240, %swap3A_241] : memref<1x1xf32, #tpu.memory_space<vmem>>, vector<1x1xf32>
      tpu.vector_store %arg10[%swap3A_240, %swap3A_241], %broadcast_in_dim3A_239 {strides = array<i32>} : memref<1x1xf32, #tpu.memory_space<vmem>>, vector<1x1xf32>,
      %get3A_243 = arith.constant 0 : index
      %get3A_244 = arith.constant 0 : index
      %get3A_245 = vector.load %arg2[%get3A_243, %get3A_244] : memref<1024x64xf32, #tpu.memory_space<vmem>>, vector<1024x64xf32>
      %neg3A = arith.constant 0.000000e+00 : f32
      %neg3A_246 = vector.broadcast %neg3A : f32 to vector<1024x64xf32>
      %neg3A_247 = arith.subf %neg3A_246, %get3A_245 : vector<1024x64xf32>
      %swap3A_248 = arith.constant 0 : index
      %swap3A_249 = arith.constant 0 : index
      %swap3A_250 = vector.load %arg11[%swap3A_248, %swap3A_249] : memref<1024x64xf32, #tpu.memory_space<vmem>>, vector<1024x64xf32>
      tpu.vector_store %arg11[%swap3A_248, %swap3A_249], %neg3A_247 {strides = array<i32>} : memref<1024x64xf32, #tpu.memory_space<vmem>>, vector<1024x64xf32>,
      %mul3A_251 = arith.mulf %get3A_245, %get3A_245 : vector<1024x64xf32>
      %reduce_sum3A_252 = arith.constant dense<0.000000e+00> : vector<1024xf32>
      %reduce_sum3A_253 = vector.multi_reduction <add>, %mul3A_251, %reduce_sum3A_252 [1] : vector<1024x64xf32> to vector<1024xf32>
      %broadcast_in_dim3A_254 = vector.shape_cast %reduce_sum3A_253 : vector<1024xf32> to vector<1024x1xf32>
      %mul3A_255 = arith.constant 5.000000e-01 : f32
      %mul3A_256 = vector.broadcast %mul3A_255 : f32 to vector<1024x1xf32>
      %mul3A_257 = arith.mulf %mul3A_256, %broadcast_in_dim3A_254 : vector<1024x1xf32>
      %swap3A_258 = arith.constant 0 : index
      %swap3A_259 = arith.constant 0 : index
      %swap3A_260 = vector.load %arg12[%swap3A_258, %swap3A_259] : memref<1024x1xf32, #tpu.memory_space<vmem>>, vector<1024x1xf32>
      tpu.vector_store %arg12[%swap3A_258, %swap3A_259], %mul3A_257 {strides = array<i32>} : memref<1024x1xf32, #tpu.memory_space<vmem>>, vector<1024x1xf32>,
    } else {
    }
    %iota3A = tpu.iota {dimensions = array<i32: 0>} : vector<1024x1024xi32>
    %get3A = arith.constant 0 : index
    %get3A_2 = arith.constant 0 : index
    %get3A_3 = vector.load %arg11[%get3A, %get3A_2] : memref<1024x64xf32, #tpu.memory_space<vmem>>, vector<1024x64xf32>
    %get3A_4 = arith.constant 0 : index
    %get3A_5 = arith.constant 0 : index
    %get3A_6 = vector.load %arg12[%get3A_4, %get3A_5] : memref<1024x1xf32, #tpu.memory_space<vmem>>, vector<1024x1xf32>
    %get3A_7 = arith.constant 0 : index
    %get3A_8 = arith.constant 0 : index
    %get3A_9 = arith.constant 0 : index
    %get3A_10 = arith.constant 0 : index
    %get3A_11 = arith.constant 0 : index
    %get3A_12 = vector.load %arg1[%get3A_7, %get3A_8, %get3A_9, %get3A_10, %get3A_11] : memref<1x64x4x1x1024xf32, #tpu.memory_space<vmem>>, vector<1x64x1x1x1024xf32>
    %get3A_13 = vector.shape_cast %get3A_12 : vector<1x64x1x1x1024xf32> to vector<64x1024xf32>
    %dot_general3A = arith.constant dense<0.000000e+00> : vector<1024x1024xf32>
    %dot_general3A_14 = tpu.matmul %get3A_3, %get3A_13, %dot_general3A {dimension_numbers = #tpu.dot_dimension_numbers<[1], [0], [0], [1], [0, 0, 1, 1], [], []>, transpose_lhs_hint = false} : vector<1024x64xf32>, vector<64x1024xf32>, vector<1024x1024xf32> -> vector<1024x1024xf32>
    %add3A = vector.broadcast %get3A_6 : vector<1024x1xf32> to vector<1024x1024xf32>
    %add3A_15 = arith.addf %dot_general3A_14, %add3A : vector<1024x1024xf32>
    %argmin3A = tpu.reduce_index %add3A_15 {axis = 0 : i32, kind = #tpu.reduction_kind<arg_min>} : vector<1024x1024xf32> -> vector<1024xi32>
    %swap3A = arith.constant 0 : index
    %swap3A_16 = arith.constant 0 : index
    %swap3A_17 = arith.constant 0 : index
    %swap3A_18 = vector.load %arg5[%swap3A, %swap3A_16, %swap3A_17] : memref<1x4x1024xi32, #tpu.memory_space<vmem>>, vector<1x1x1024xi32>
    %swap3A_19 = vector.shape_cast %swap3A_18 : vector<1x1x1024xi32> to vector<1024xi32>
    %swap3A_20 = vector.shape_cast %argmin3A : vector<1024xi32> to vector<1x1x1024xi32>
    tpu.vector_store %arg5[%swap3A, %swap3A_16, %swap3A_17], %swap3A_20 {strides = array<i32>} : memref<1x4x1024xi32, #tpu.memory_space<vmem>>, vector<1x1x1024xi32>,
    %broadcast_in_dim3A = vector.shape_cast %argmin3A : vector<1024xi32> to vector<1x1024xi32>
    %eq3A_21 = vector.broadcast %broadcast_in_dim3A : vector<1x1024xi32> to vector<1024x1024xi32>
    %eq3A_22 = arith.cmpi eq, %iota3A, %eq3A_21 : vector<1024x1024xi32>
    %convert_element_type3A_23 = arith.extui %eq3A_22 : vector<1024x1024xi1> to vector<1024x1024xi32>
    %convert_element_type3A_24 = arith.sitofp %convert_element_type3A_23 : vector<1024x1024xi32> to vector<1024x1024xf32>
    %get3A_25 = arith.constant 0 : index
    %get3A_26 = arith.constant 0 : index
    %get3A_27 = vector.load %arg8[%get3A_25, %get3A_26] : memref<1024x1xf32, #tpu.memory_space<vmem>>, vector<1024x1xf32>
    %reduce_sum3A = arith.constant dense<0.000000e+00> : vector<1024xf32>
    %reduce_sum3A_28 = vector.multi_reduction <add>, %convert_element_type3A_24, %reduce_sum3A [1] : vector<1024x1024xf32> to vector<1024xf32>
    %broadcast_in_dim3A_29 = vector.shape_cast %reduce_sum3A_28 : vector<1024xf32> to vector<1024x1xf32>
    %add3A_30 = arith.addf %get3A_27, %broadcast_in_dim3A_29 : vector<1024x1xf32>
    %swap3A_31 = arith.constant 0 : index
    %swap3A_32 = arith.constant 0 : index
    %swap3A_33 = vector.load %arg8[%swap3A_31, %swap3A_32] : memref<1024x1xf32, #tpu.memory_space<vmem>>, vector<1024x1xf32>
    tpu.vector_store %arg8[%swap3A_31, %swap3A_32], %add3A_30 {strides = array<i32>} : memref<1024x1xf32, #tpu.memory_space<vmem>>, vector<1024x1xf32>,
    %get3A_34 = arith.constant 0 : index
    %get3A_35 = arith.constant 0 : index
    %get3A_36 = vector.load %arg9[%get3A_34, %get3A_35] : memref<1024x64xf32, #tpu.memory_space<vmem>>, vector<1024x64xf32>
    %dot_general3A_37 = arith.constant dense<0.000000e+00> : vector<1024x64xf32>
    %dot_general3A_38 = tpu.matmul %convert_element_type3A_24, %get3A_13, %dot_general3A_37 {dimension_numbers = #tpu.dot_dimension_numbers<[1], [1], [0], [0], [0, 0, 1, 0], [], []>, transpose_lhs_hint = false} : vector<1024x1024xf32>, vector<64x1024xf32>, vector<1024x64xf32> -> vector<1024x64xf32>
    %add3A_39 = arith.addf %get3A_36, %dot_general3A_38 : vector<1024x64xf32>
    %swap3A_40 = arith.constant 0 : index
    %swap3A_41 = arith.constant 0 : index
    %swap3A_42 = vector.load %arg9[%swap3A_40, %swap3A_41] : memref<1024x64xf32, #tpu.memory_space<vmem>>, vector<1024x64xf32>
    tpu.vector_store %arg9[%swap3A_40, %swap3A_41], %add3A_39 {strides = array<i32>} : memref<1024x64xf32, #tpu.memory_space<vmem>>, vector<1024x64xf32>,
    %get3A_43 = arith.constant 0 : index
    %get3A_44 = arith.constant 0 : index
    %get3A_45 = vector.load %arg10[%get3A_43, %get3A_44] : memref<1x1xf32, #tpu.memory_space<vmem>>, vector<1x1xf32>
    %mul3A = arith.mulf %get3A_13, %get3A_13 : vector<64x1024xf32>
    %reduce_sum3A_46 = vector.shape_cast %mul3A : vector<64x1024xf32> to vector<1x64x1024xf32>
    %reduce_sum3A_47 = arith.constant dense<0.000000e+00> : vector<1xf32>
    %reduce_sum3A_48 = vector.multi_reduction <add>, %reduce_sum3A_46, %reduce_sum3A_47 [1, 2] : vector<1x64x1024xf32> to vector<1xf32>
    %reduce_sum3A_49 = vector.shape_cast %reduce_sum3A_48 : vector<1xf32> to vector<1x1x1xf32>
    %reduce_sum3A_50 = vector.extract %reduce_sum3A_49[0, 0, 0] : f32 from vector<1x1x1xf32>
    %reshape3A = vector.broadcast %reduce_sum3A_50 : f32 to vector<1x1xf32>
    %add3A_51 = arith.addf %get3A_45, %reshape3A : vector<1x1xf32>
    %swap3A_52 = arith.constant 0 : index
    %swap3A_53 = arith.constant 0 : index
    %swap3A_54 = vector.load %arg10[%swap3A_52, %swap3A_53] : memref<1x1xf32, #tpu.memory_space<vmem>>, vector<1x1xf32>
    tpu.vector_store %arg10[%swap3A_52, %swap3A_53], %add3A_51 {strides = array<i32>} : memref<1x1xf32, #tpu.memory_space<vmem>>, vector<1x1xf32>,
    %get3A_55 = arith.constant 0 : index
    %get3A_56 = arith.constant 0 : index
    %get3A_57 = arith.constant 1 : index
    %get3A_58 = arith.constant 0 : index
    %get3A_59 = arith.constant 0 : index
    %get3A_60 = vector.load %arg1[%get3A_55, %get3A_56, %get3A_57, %get3A_58, %get3A_59] : memref<1x64x4x1x1024xf32, #tpu.memory_space<vmem>>, vector<1x64x1x1x1024xf32>
    %get3A_61 = vector.shape_cast %get3A_60 : vector<1x64x1x1x1024xf32> to vector<64x1024xf32>
    %dot_general3A_62 = arith.constant dense<0.000000e+00> : vector<1024x1024xf32>
    %dot_general3A_63 = tpu.matmul %get3A_3, %get3A_61, %dot_general3A_62 {dimension_numbers = #tpu.dot_dimension_numbers<[1], [0], [0], [1], [0, 0, 1, 1], [], []>, transpose_lhs_hint = false} : vector<1024x64xf32>, vector<64x1024xf32>, vector<1024x1024xf32> -> vector<1024x1024xf32>
    %add3A_64 = vector.broadcast %get3A_6 : vector<1024x1xf32> to vector<1024x1024xf32>
    %add3A_65 = arith.addf %dot_general3A_63, %add3A_64 : vector<1024x1024xf32>
    %argmin3A_66 = tpu.reduce_index %add3A_65 {axis = 0 : i32, kind = #tpu.reduction_kind<arg_min>} : vector<1024x1024xf32> -> vector<1024xi32>
    %swap3A_67 = arith.constant 0 : index
    %swap3A_68 = arith.constant 1 : index
    %swap3A_69 = arith.constant 0 : index
    %swap3A_70 = vector.load %arg5[%swap3A_67, %swap3A_68, %swap3A_69] : memref<1x4x1024xi32, #tpu.memory_space<vmem>>, vector<1x1x1024xi32>
    %swap3A_71 = vector.shape_cast %swap3A_70 : vector<1x1x1024xi32> to vector<1024xi32>
    %swap3A_72 = vector.shape_cast %argmin3A_66 : vector<1024xi32> to vector<1x1x1024xi32>
    tpu.vector_store %arg5[%swap3A_67, %swap3A_68, %swap3A_69], %swap3A_72 {strides = array<i32>} : memref<1x4x1024xi32, #tpu.memory_space<vmem>>, vector<1x1x1024xi32>,
    %broadcast_in_dim3A_73 = vector.shape_cast %argmin3A_66 : vector<1024xi32> to vector<1x1024xi32>
    %eq3A_74 = vector.broadcast %broadcast_in_dim3A_73 : vector<1x1024xi32> to vector<1024x1024xi32>
    %eq3A_75 = arith.cmpi eq, %iota3A, %eq3A_74 : vector<1024x1024xi32>
    %convert_element_type3A_76 = arith.extui %eq3A_75 : vector<1024x1024xi1> to vector<1024x1024xi32>
    %convert_element_type3A_77 = arith.sitofp %convert_element_type3A_76 : vector<1024x1024xi32> to vector<1024x1024xf32>
    %get3A_78 = arith.constant 0 : index
    %get3A_79 = arith.constant 0 : index
    %get3A_80 = vector.load %arg8[%get3A_78, %get3A_79] : memref<1024x1xf32, #tpu.memory_space<vmem>>, vector<1024x1xf32>
    %reduce_sum3A_81 = arith.constant dense<0.000000e+00> : vector<1024xf32>
    %reduce_sum3A_82 = vector.multi_reduction <add>, %convert_element_type3A_77, %reduce_sum3A_81 [1] : vector<1024x1024xf32> to vector<1024xf32>
    %broadcast_in_dim3A_83 = vector.shape_cast %reduce_sum3A_82 : vector<1024xf32> to vector<1024x1xf32>
    %add3A_84 = arith.addf %get3A_80, %broadcast_in_dim3A_83 : vector<1024x1xf32>
    %swap3A_85 = arith.constant 0 : index
    %swap3A_86 = arith.constant 0 : index
    %swap3A_87 = vector.load %arg8[%swap3A_85, %swap3A_86] : memref<1024x1xf32, #tpu.memory_space<vmem>>, vector<1024x1xf32>
    tpu.vector_store %arg8[%swap3A_85, %swap3A_86], %add3A_84 {strides = array<i32>} : memref<1024x1xf32, #tpu.memory_space<vmem>>, vector<1024x1xf32>,
    %get3A_88 = arith.constant 0 : index
    %get3A_89 = arith.constant 0 : index
    %get3A_90 = vector.load %arg9[%get3A_88, %get3A_89] : memref<1024x64xf32, #tpu.memory_space<vmem>>, vector<1024x64xf32>
    %dot_general3A_91 = arith.constant dense<0.000000e+00> : vector<1024x64xf32>
    %dot_general3A_92 = tpu.matmul %convert_element_type3A_77, %get3A_61, %dot_general3A_91 {dimension_numbers = #tpu.dot_dimension_numbers<[1], [1], [0], [0], [0, 0, 1, 0], [], []>, transpose_lhs_hint = false} : vector<1024x1024xf32>, vector<64x1024xf32>, vector<1024x64xf32> -> vector<1024x64xf32>
    %add3A_93 = arith.addf %get3A_90, %dot_general3A_92 : vector<1024x64xf32>
    %swap3A_94 = arith.constant 0 : index
    %swap3A_95 = arith.constant 0 : index
    %swap3A_96 = vector.load %arg9[%swap3A_94, %swap3A_95] : memref<1024x64xf32, #tpu.memory_space<vmem>>, vector<1024x64xf32>
    tpu.vector_store %arg9[%swap3A_94, %swap3A_95], %add3A_93 {strides = array<i32>} : memref<1024x64xf32, #tpu.memory_space<vmem>>, vector<1024x64xf32>,
    %get3A_97 = arith.constant 0 : index
    %get3A_98 = arith.constant 0 : index
    %get3A_99 = vector.load %arg10[%get3A_97, %get3A_98] : memref<1x1xf32, #tpu.memory_space<vmem>>, vector<1x1xf32>
    %mul3A_100 = arith.mulf %get3A_61, %get3A_61 : vector<64x1024xf32>
    %reduce_sum3A_101 = vector.shape_cast %mul3A_100 : vector<64x1024xf32> to vector<1x64x1024xf32>
    %reduce_sum3A_102 = arith.constant dense<0.000000e+00> : vector<1xf32>
    %reduce_sum3A_103 = vector.multi_reduction <add>, %reduce_sum3A_101, %reduce_sum3A_102 [1, 2] : vector<1x64x1024xf32> to vector<1xf32>
    %reduce_sum3A_104 = vector.shape_cast %reduce_sum3A_103 : vector<1xf32> to vector<1x1x1xf32>
    %reduce_sum3A_105 = vector.extract %reduce_sum3A_104[0, 0, 0] : f32 from vector<1x1x1xf32>
    %reshape3A_106 = vector.broadcast %reduce_sum3A_105 : f32 to vector<1x1xf32>
    %add3A_107 = arith.addf %get3A_99, %reshape3A_106 : vector<1x1xf32>
    %swap3A_108 = arith.constant 0 : index
    %swap3A_109 = arith.constant 0 : index
    %swap3A_110 = vector.load %arg10[%swap3A_108, %swap3A_109] : memref<1x1xf32, #tpu.memory_space<vmem>>, vector<1x1xf32>
    tpu.vector_store %arg10[%swap3A_108, %swap3A_109], %add3A_107 {strides = array<i32>} : memref<1x1xf32, #tpu.memory_space<vmem>>, vector<1x1xf32>,
    %get3A_111 = arith.constant 0 : index
    %get3A_112 = arith.constant 0 : index
    %get3A_113 = arith.constant 2 : index
    %get3A_114 = arith.constant 0 : index
    %get3A_115 = arith.constant 0 : index
    %get3A_116 = vector.load %arg1[%get3A_111, %get3A_112, %get3A_113, %get3A_114, %get3A_115] : memref<1x64x4x1x1024xf32, #tpu.memory_space<vmem>>, vector<1x64x1x1x1024xf32>
    %get3A_117 = vector.shape_cast %get3A_116 : vector<1x64x1x1x1024xf32> to vector<64x1024xf32>
    %dot_general3A_118 = arith.constant dense<0.000000e+00> : vector<1024x1024xf32>
    %dot_general3A_119 = tpu.matmul %get3A_3, %get3A_117, %dot_general3A_118 {dimension_numbers = #tpu.dot_dimension_numbers<[1], [0], [0], [1], [0, 0, 1, 1], [], []>, transpose_lhs_hint = false} : vector<1024x64xf32>, vector<64x1024xf32>, vector<1024x1024xf32> -> vector<1024x1024xf32>
    %add3A_120 = vector.broadcast %get3A_6 : vector<1024x1xf32> to vector<1024x1024xf32>
    %add3A_121 = arith.addf %dot_general3A_119, %add3A_120 : vector<1024x1024xf32>
    %argmin3A_122 = tpu.reduce_index %add3A_121 {axis = 0 : i32, kind = #tpu.reduction_kind<arg_min>} : vector<1024x1024xf32> -> vector<1024xi32>
    %swap3A_123 = arith.constant 0 : index
    %swap3A_124 = arith.constant 2 : index
    %swap3A_125 = arith.constant 0 : index
    %swap3A_126 = vector.load %arg5[%swap3A_123, %swap3A_124, %swap3A_125] : memref<1x4x1024xi32, #tpu.memory_space<vmem>>, vector<1x1x1024xi32>
    %swap3A_127 = vector.shape_cast %swap3A_126 : vector<1x1x1024xi32> to vector<1024xi32>
    %swap3A_128 = vector.shape_cast %argmin3A_122 : vector<1024xi32> to vector<1x1x1024xi32>
    tpu.vector_store %arg5[%swap3A_123, %swap3A_124, %swap3A_125], %swap3A_128 {strides = array<i32>} : memref<1x4x1024xi32, #tpu.memory_space<vmem>>, vector<1x1x1024xi32>,
    %broadcast_in_dim3A_129 = vector.shape_cast %argmin3A_122 : vector<1024xi32> to vector<1x1024xi32>
    %eq3A_130 = vector.broadcast %broadcast_in_dim3A_129 : vector<1x1024xi32> to vector<1024x1024xi32>
    %eq3A_131 = arith.cmpi eq, %iota3A, %eq3A_130 : vector<1024x1024xi32>
    %convert_element_type3A_132 = arith.extui %eq3A_131 : vector<1024x1024xi1> to vector<1024x1024xi32>
    %convert_element_type3A_133 = arith.sitofp %convert_element_type3A_132 : vector<1024x1024xi32> to vector<1024x1024xf32>
    %get3A_134 = arith.constant 0 : index
    %get3A_135 = arith.constant 0 : index
    %get3A_136 = vector.load %arg8[%get3A_134, %get3A_135] : memref<1024x1xf32, #tpu.memory_space<vmem>>, vector<1024x1xf32>
    %reduce_sum3A_137 = arith.constant dense<0.000000e+00> : vector<1024xf32>
    %reduce_sum3A_138 = vector.multi_reduction <add>, %convert_element_type3A_133, %reduce_sum3A_137 [1] : vector<1024x1024xf32> to vector<1024xf32>
    %broadcast_in_dim3A_139 = vector.shape_cast %reduce_sum3A_138 : vector<1024xf32> to vector<1024x1xf32>
    %add3A_140 = arith.addf %get3A_136, %broadcast_in_dim3A_139 : vector<1024x1xf32>
    %swap3A_141 = arith.constant 0 : index
    %swap3A_142 = arith.constant 0 : index
    %swap3A_143 = vector.load %arg8[%swap3A_141, %swap3A_142] : memref<1024x1xf32, #tpu.memory_space<vmem>>, vector<1024x1xf32>
    tpu.vector_store %arg8[%swap3A_141, %swap3A_142], %add3A_140 {strides = array<i32>} : memref<1024x1xf32, #tpu.memory_space<vmem>>, vector<1024x1xf32>,
    %get3A_144 = arith.constant 0 : index
    %get3A_145 = arith.constant 0 : index
    %get3A_146 = vector.load %arg9[%get3A_144, %get3A_145] : memref<1024x64xf32, #tpu.memory_space<vmem>>, vector<1024x64xf32>
    %dot_general3A_147 = arith.constant dense<0.000000e+00> : vector<1024x64xf32>
    %dot_general3A_148 = tpu.matmul %convert_element_type3A_133, %get3A_117, %dot_general3A_147 {dimension_numbers = #tpu.dot_dimension_numbers<[1], [1], [0], [0], [0, 0, 1, 0], [], []>, transpose_lhs_hint = false} : vector<1024x1024xf32>, vector<64x1024xf32>, vector<1024x64xf32> -> vector<1024x64xf32>
    %add3A_149 = arith.addf %get3A_146, %dot_general3A_148 : vector<1024x64xf32>
    %swap3A_150 = arith.constant 0 : index
    %swap3A_151 = arith.constant 0 : index
    %swap3A_152 = vector.load %arg9[%swap3A_150, %swap3A_151] : memref<1024x64xf32, #tpu.memory_space<vmem>>, vector<1024x64xf32>
    tpu.vector_store %arg9[%swap3A_150, %swap3A_151], %add3A_149 {strides = array<i32>} : memref<1024x64xf32, #tpu.memory_space<vmem>>, vector<1024x64xf32>,
    %get3A_153 = arith.constant 0 : index
    %get3A_154 = arith.constant 0 : index
    %get3A_155 = vector.load %arg10[%get3A_153, %get3A_154] : memref<1x1xf32, #tpu.memory_space<vmem>>, vector<1x1xf32>
    %mul3A_156 = arith.mulf %get3A_117, %get3A_117 : vector<64x1024xf32>
    %reduce_sum3A_157 = vector.shape_cast %mul3A_156 : vector<64x1024xf32> to vector<1x64x1024xf32>
    %reduce_sum3A_158 = arith.constant dense<0.000000e+00> : vector<1xf32>
    %reduce_sum3A_159 = vector.multi_reduction <add>, %reduce_sum3A_157, %reduce_sum3A_158 [1, 2] : vector<1x64x1024xf32> to vector<1xf32>
    %reduce_sum3A_160 = vector.shape_cast %reduce_sum3A_159 : vector<1xf32> to vector<1x1x1xf32>
    %reduce_sum3A_161 = vector.extract %reduce_sum3A_160[0, 0, 0] : f32 from vector<1x1x1xf32>
    %reshape3A_162 = vector.broadcast %reduce_sum3A_161 : f32 to vector<1x1xf32>
    %add3A_163 = arith.addf %get3A_155, %reshape3A_162 : vector<1x1xf32>
    %swap3A_164 = arith.constant 0 : index
    %swap3A_165 = arith.constant 0 : index
    %swap3A_166 = vector.load %arg10[%swap3A_164, %swap3A_165] : memref<1x1xf32, #tpu.memory_space<vmem>>, vector<1x1xf32>
    tpu.vector_store %arg10[%swap3A_164, %swap3A_165], %add3A_163 {strides = array<i32>} : memref<1x1xf32, #tpu.memory_space<vmem>>, vector<1x1xf32>,
    %get3A_167 = arith.constant 0 : index
    %get3A_168 = arith.constant 0 : index
    %get3A_169 = arith.constant 3 : index
    %get3A_170 = arith.constant 0 : index
    %get3A_171 = arith.constant 0 : index
    %get3A_172 = vector.load %arg1[%get3A_167, %get3A_168, %get3A_169, %get3A_170, %get3A_171] : memref<1x64x4x1x1024xf32, #tpu.memory_space<vmem>>, vector<1x64x1x1x1024xf32>
    %get3A_173 = vector.shape_cast %get3A_172 : vector<1x64x1x1x1024xf32> to vector<64x1024xf32>
    %dot_general3A_174 = arith.constant dense<0.000000e+00> : vector<1024x1024xf32>
    %dot_general3A_175 = tpu.matmul %get3A_3, %get3A_173, %dot_general3A_174 {dimension_numbers = #tpu.dot_dimension_numbers<[1], [0], [0], [1], [0, 0, 1, 1], [], []>, transpose_lhs_hint = false} : vector<1024x64xf32>, vector<64x1024xf32>, vector<1024x1024xf32> -> vector<1024x1024xf32>
    %add3A_176 = vector.broadcast %get3A_6 : vector<1024x1xf32> to vector<1024x1024xf32>
    %add3A_177 = arith.addf %dot_general3A_175, %add3A_176 : vector<1024x1024xf32>
    %argmin3A_178 = tpu.reduce_index %add3A_177 {axis = 0 : i32, kind = #tpu.reduction_kind<arg_min>} : vector<1024x1024xf32> -> vector<1024xi32>
    %swap3A_179 = arith.constant 0 : index
    %swap3A_180 = arith.constant 3 : index
    %swap3A_181 = arith.constant 0 : index
    %swap3A_182 = vector.load %arg5[%swap3A_179, %swap3A_180, %swap3A_181] : memref<1x4x1024xi32, #tpu.memory_space<vmem>>, vector<1x1x1024xi32>
    %swap3A_183 = vector.shape_cast %swap3A_182 : vector<1x1x1024xi32> to vector<1024xi32>
    %swap3A_184 = vector.shape_cast %argmin3A_178 : vector<1024xi32> to vector<1x1x1024xi32>
    tpu.vector_store %arg5[%swap3A_179, %swap3A_180, %swap3A_181], %swap3A_184 {strides = array<i32>} : memref<1x4x1024xi32, #tpu.memory_space<vmem>>, vector<1x1x1024xi32>,
    %broadcast_in_dim3A_185 = vector.shape_cast %argmin3A_178 : vector<1024xi32> to vector<1x1024xi32>
    %eq3A_186 = vector.broadcast %broadcast_in_dim3A_185 : vector<1x1024xi32> to vector<1024x1024xi32>
    %eq3A_187 = arith.cmpi eq, %iota3A, %eq3A_186 : vector<1024x1024xi32>
    %convert_element_type3A_188 = arith.extui %eq3A_187 : vector<1024x1024xi1> to vector<1024x1024xi32>
    %convert_element_type3A_189 = arith.sitofp %convert_element_type3A_188 : vector<1024x1024xi32> to vector<1024x1024xf32>
    %get3A_190 = arith.constant 0 : index
    %get3A_191 = arith.constant 0 : index
    %get3A_192 = vector.load %arg8[%get3A_190, %get3A_191] : memref<1024x1xf32, #tpu.memory_space<vmem>>, vector<1024x1xf32>
    %reduce_sum3A_193 = arith.constant dense<0.000000e+00> : vector<1024xf32>
    %reduce_sum3A_194 = vector.multi_reduction <add>, %convert_element_type3A_189, %reduce_sum3A_193 [1] : vector<1024x1024xf32> to vector<1024xf32>
    %broadcast_in_dim3A_195 = vector.shape_cast %reduce_sum3A_194 : vector<1024xf32> to vector<1024x1xf32>
    %add3A_196 = arith.addf %get3A_192, %broadcast_in_dim3A_195 : vector<1024x1xf32>
    %swap3A_197 = arith.constant 0 : index
    %swap3A_198 = arith.constant 0 : index
    %swap3A_199 = vector.load %arg8[%swap3A_197, %swap3A_198] : memref<1024x1xf32, #tpu.memory_space<vmem>>, vector<1024x1xf32>
    tpu.vector_store %arg8[%swap3A_197, %swap3A_198], %add3A_196 {strides = array<i32>} : memref<1024x1xf32, #tpu.memory_space<vmem>>, vector<1024x1xf32>,
    %get3A_200 = arith.constant 0 : index
    %get3A_201 = arith.constant 0 : index
    %get3A_202 = vector.load %arg9[%get3A_200, %get3A_201] : memref<1024x64xf32, #tpu.memory_space<vmem>>, vector<1024x64xf32>
    %dot_general3A_203 = arith.constant dense<0.000000e+00> : vector<1024x64xf32>
    %dot_general3A_204 = tpu.matmul %convert_element_type3A_189, %get3A_173, %dot_general3A_203 {dimension_numbers = #tpu.dot_dimension_numbers<[1], [1], [0], [0], [0, 0, 1, 0], [], []>, transpose_lhs_hint = false} : vector<1024x1024xf32>, vector<64x1024xf32>, vector<1024x64xf32> -> vector<1024x64xf32>
    %add3A_205 = arith.addf %get3A_202, %dot_general3A_204 : vector<1024x64xf32>
    %swap3A_206 = arith.constant 0 : index
    %swap3A_207 = arith.constant 0 : index
    %swap3A_208 = vector.load %arg9[%swap3A_206, %swap3A_207] : memref<1024x64xf32, #tpu.memory_space<vmem>>, vector<1024x64xf32>
    tpu.vector_store %arg9[%swap3A_206, %swap3A_207], %add3A_205 {strides = array<i32>} : memref<1024x64xf32, #tpu.memory_space<vmem>>, vector<1024x64xf32>,
    %get3A_209 = arith.constant 0 : index
    %get3A_210 = arith.constant 0 : index
    %get3A_211 = vector.load %arg10[%get3A_209, %get3A_210] : memref<1x1xf32, #tpu.memory_space<vmem>>, vector<1x1xf32>
    %mul3A_212 = arith.mulf %get3A_173, %get3A_173 : vector<64x1024xf32>
    %reduce_sum3A_213 = vector.shape_cast %mul3A_212 : vector<64x1024xf32> to vector<1x64x1024xf32>
    %reduce_sum3A_214 = arith.constant dense<0.000000e+00> : vector<1xf32>
    %reduce_sum3A_215 = vector.multi_reduction <add>, %reduce_sum3A_213, %reduce_sum3A_214 [1, 2] : vector<1x64x1024xf32> to vector<1xf32>
    %reduce_sum3A_216 = vector.shape_cast %reduce_sum3A_215 : vector<1xf32> to vector<1x1x1xf32>
    %reduce_sum3A_217 = vector.extract %reduce_sum3A_216[0, 0, 0] : f32 from vector<1x1x1xf32>
    %reshape3A_218 = vector.broadcast %reduce_sum3A_217 : f32 to vector<1x1xf32>
    %add3A_219 = arith.addf %get3A_211, %reshape3A_218 : vector<1x1xf32>
    %swap3A_220 = arith.constant 0 : index
    %swap3A_221 = arith.constant 0 : index
    %swap3A_222 = vector.load %arg10[%swap3A_220, %swap3A_221] : memref<1x1xf32, #tpu.memory_space<vmem>>, vector<1x1xf32>
    tpu.vector_store %arg10[%swap3A_220, %swap3A_221], %add3A_219 {strides = array<i32>} : memref<1x1xf32, #tpu.memory_space<vmem>>, vector<1x1xf32>,
    %eq3A_223 = arith.constant 7 : i32
    %eq3A_224 = arith.cmpi eq, %arg0, %eq3A_223 : i32
    %convert_element_type3A_225 = arith.extui %eq3A_224 : i1 to i32
    %cond3A_226 = arith.constant 0 : i32
    %cond3A_227 = arith.cmpi ne, %convert_element_type3A_225, %cond3A_226 : i32
    scf.if %cond3A_227 {
      %get3A_228 = arith.constant 0 : index
      %get3A_229 = arith.constant 0 : index
      %get3A_230 = vector.load %arg8[%get3A_228, %get3A_229] : memref<1024x1xf32, #tpu.memory_space<vmem>>, vector<1024x1xf32>
      %get3A_231 = arith.constant 0 : index
      %get3A_232 = arith.constant 0 : index
      %get3A_233 = vector.load %arg3[%get3A_231, %get3A_232] : memref<1024x1xf32, #tpu.memory_space<vmem>>, vector<1024x1xf32>
      %mul3A_234 = arith.constant 9.900000e-01 : f32
      %mul3A_235 = vector.broadcast %mul3A_234 : f32 to vector<1024x1xf32>
      %mul3A_236 = arith.mulf %mul3A_235, %get3A_233 : vector<1024x1xf32>
      %mul3A_237 = arith.constant 0.00999999977 : f32
      %mul3A_238 = vector.broadcast %mul3A_237 : f32 to vector<1024x1xf32>
      %mul3A_239 = arith.mulf %mul3A_238, %get3A_230 : vector<1024x1xf32>
      %add3A_240 = arith.addf %mul3A_236, %mul3A_239 : vector<1024x1xf32>
      %get3A_241 = arith.constant 0 : index
      %get3A_242 = arith.constant 0 : index
      %get3A_243 = vector.load %arg4[%get3A_241, %get3A_242] : memref<1024x64xf32, #tpu.memory_space<vmem>>, vector<1024x64xf32>
      %mul3A_244 = arith.constant 9.900000e-01 : f32
      %mul3A_245 = vector.broadcast %mul3A_244 : f32 to vector<1024x64xf32>
      %mul3A_246 = arith.mulf %mul3A_245, %get3A_243 : vector<1024x64xf32>
      %get3A_247 = arith.constant 0 : index
      %get3A_248 = arith.constant 0 : index
      %get3A_249 = vector.load %arg9[%get3A_247, %get3A_248] : memref<1024x64xf32, #tpu.memory_space<vmem>>, vector<1024x64xf32>
      %mul3A_250 = arith.constant 0.00999999977 : f32
      %mul3A_251 = vector.broadcast %mul3A_250 : f32 to vector<1024x64xf32>
      %mul3A_252 = arith.mulf %mul3A_251, %get3A_249 : vector<1024x64xf32>
      %add3A_253 = arith.addf %mul3A_246, %mul3A_252 : vector<1024x64xf32>
      %reduce_sum3A_254 = vector.shape_cast %add3A_240 : vector<1024x1xf32> to vector<1x1024x1xf32>
      %reduce_sum3A_255 = arith.constant dense<0.000000e+00> : vector<1xf32>
      %reduce_sum3A_256 = vector.multi_reduction <add>, %reduce_sum3A_254, %reduce_sum3A_255 [1, 2] : vector<1x1024x1xf32> to vector<1xf32>
      %reduce_sum3A_257 = vector.shape_cast %reduce_sum3A_256 : vector<1xf32> to vector<1x1x1xf32>
      %reduce_sum3A_258 = vector.extract %reduce_sum3A_257[0, 0, 0] : f32 from vector<1x1x1xf32>
      %add3A_259 = arith.constant 9.99999974E-6 : f32
      %add3A_260 = vector.broadcast %add3A_259 : f32 to vector<1024x1xf32>
      %add3A_261 = arith.addf %add3A_240, %add3A_260 : vector<1024x1xf32>
      %add3A_262 = arith.constant 1.024000e-02 : f32
      %add3A_263 = arith.addf %reduce_sum3A_258, %add3A_262 : f32
      %div3A = vector.broadcast %add3A_263 : f32 to vector<1024x1xf32>
      %div3A_264 = arith.divf %add3A_261, %div3A : vector<1024x1xf32>
      %mul3A_265 = vector.broadcast %reduce_sum3A_258 : f32 to vector<1024x1xf32>
      %mul3A_266 = arith.mulf %div3A_264, %mul3A_265 : vector<1024x1xf32>
      %div3A_267 = vector.broadcast %mul3A_266 : vector<1024x1xf32> to vector<1024x64xf32>
      %div3A_268 = arith.divf %add3A_253, %div3A_267 : vector<1024x64xf32>
      %broadcast_in_dim3A_269 = arith.constant 0.000000e+00 : f32
      %broadcast_in_dim3A_270 = vector.broadcast %broadcast_in_dim3A_269 : f32 to vector<1024x64xf32>
      %concatenate3A = tpu.concatenate %div3A_268, %broadcast_in_dim3A_270 in 1 : vector<1024x64xf32>, vector<1024x64xf32> -> vector<1024x128xf32>
      %swap3A_271 = arith.constant 0 : index
      %swap3A_272 = arith.constant 0 : index
      %swap3A_273 = vector.load %arg6[%swap3A_271, %swap3A_272] : memref<1024x128xf32, #tpu.memory_space<vmem>>, vector<1024x128xf32>
      tpu.vector_store %arg6[%swap3A_271, %swap3A_272], %concatenate3A {strides = array<i32>} : memref<1024x128xf32, #tpu.memory_space<vmem>>, vector<1024x128xf32>,
      %get3A_274 = arith.constant 0 : index
      %get3A_275 = arith.constant 0 : index
      %get3A_276 = vector.load %arg9[%get3A_274, %get3A_275] : memref<1024x64xf32, #tpu.memory_space<vmem>>, vector<1024x64xf32>
      %mul3A_277 = arith.mulf %get3A_276, %div3A_268 : vector<1024x64xf32>
      %reduce_sum3A_278 = vector.shape_cast %mul3A_277 : vector<1024x64xf32> to vector<1x1024x64xf32>
      %reduce_sum3A_279 = arith.constant dense<0.000000e+00> : vector<1xf32>
      %reduce_sum3A_280 = vector.multi_reduction <add>, %reduce_sum3A_278, %reduce_sum3A_279 [1, 2] : vector<1x1024x64xf32> to vector<1xf32>
      %reduce_sum3A_281 = vector.shape_cast %reduce_sum3A_280 : vector<1xf32> to vector<1x1x1xf32>
      %reduce_sum3A_282 = vector.extract %reduce_sum3A_281[0, 0, 0] : f32 from vector<1x1x1xf32>
      %mul3A_283 = arith.mulf %div3A_268, %div3A_268 : vector<1024x64xf32>
      %reduce_sum3A_284 = arith.constant dense<0.000000e+00> : vector<1024xf32>
      %reduce_sum3A_285 = vector.multi_reduction <add>, %mul3A_283, %reduce_sum3A_284 [1] : vector<1024x64xf32> to vector<1024xf32>
      %broadcast_in_dim3A_286 = vector.shape_cast %reduce_sum3A_285 : vector<1024xf32> to vector<1024x1xf32>
      %mul3A_287 = arith.mulf %get3A_230, %broadcast_in_dim3A_286 : vector<1024x1xf32>
      %reduce_sum3A_288 = vector.shape_cast %mul3A_287 : vector<1024x1xf32> to vector<1x1024x1xf32>
      %reduce_sum3A_289 = arith.constant dense<0.000000e+00> : vector<1xf32>
      %reduce_sum3A_290 = vector.multi_reduction <add>, %reduce_sum3A_288, %reduce_sum3A_289 [1, 2] : vector<1x1024x1xf32> to vector<1xf32>
      %reduce_sum3A_291 = vector.shape_cast %reduce_sum3A_290 : vector<1xf32> to vector<1x1x1xf32>
      %reduce_sum3A_292 = vector.extract %reduce_sum3A_291[0, 0, 0] : f32 from vector<1x1x1xf32>
      %get3A_293 = arith.constant 0 : index
      %get3A_294 = arith.constant 0 : index
      %get3A_295 = vector.load %arg10[%get3A_293, %get3A_294] : memref<1x1xf32, #tpu.memory_space<vmem>>, vector<1x1xf32>
      %mul3A_296 = arith.constant 2.000000e+00 : f32
      %mul3A_297 = arith.mulf %mul3A_296, %reduce_sum3A_282 : f32
      %sub3A = vector.broadcast %mul3A_297 : f32 to vector<1x1xf32>
      %sub3A_298 = arith.subf %get3A_295, %sub3A : vector<1x1xf32>
      %add3A_299 = vector.broadcast %reduce_sum3A_292 : f32 to vector<1x1xf32>
      %add3A_300 = arith.addf %sub3A_298, %add3A_299 : vector<1x1xf32>
      %mul3A_301 = arith.constant 2.500000e-01 : f32
      %mul3A_302 = vector.broadcast %mul3A_301 : f32 to vector<1x1xf32>
      %mul3A_303 = arith.mulf %mul3A_302, %add3A_300 : vector<1x1xf32>
      %div3A_304 = arith.constant 0x4A000000 : f32
      %div3A_305 = vector.broadcast %div3A_304 : f32 to vector<1x1xf32>
      %div3A_306 = arith.divf %mul3A_303, %div3A_305 : vector<1x1xf32>
      %swap3A_307 = arith.constant 0 : index
      %swap3A_308 = arith.constant 0 : index
      %swap3A_309 = vector.load %arg7[%swap3A_307, %swap3A_308] : memref<1x1xf32, #tpu.memory_space<vmem>>, vector<1x1xf32>
      tpu.vector_store %arg7[%swap3A_307, %swap3A_308], %div3A_306 {strides = array<i32>} : memref<1x1xf32, #tpu.memory_space<vmem>>, vector<1x1xf32>,
    } else {
    }
    return
  }
  func.func @transform_0(%arg0: i32) -> (i32, i32, i32, i32, i32) {
    %jit3A = arith.constant 2 : i32
    %div3A = arith.divsi %arg0, %jit3A : i32
    %sign3A = arith.constant 0 : i32
    %sign3A_0 = arith.cmpi sgt, %arg0, %sign3A : i32
    %sign3A_1 = arith.extui %sign3A_0 : i1 to i32
    %sign3A_2 = arith.constant 0 : i32
    %sign3A_3 = arith.cmpi slt, %arg0, %sign3A_2 : i32
    %sign3A_4 = arith.extui %sign3A_3 : i1 to i32
    %sign3A_5 = arith.subi %sign3A_1, %sign3A_4 : i32
    %sign3A_6 = arith.constant 0 : i32
    %sign3A_7 = arith.cmpi sgt, %jit3A, %sign3A_6 : i32
    %sign3A_8 = arith.extui %sign3A_7 : i1 to i32
    %sign3A_9 = arith.constant 0 : i32
    %sign3A_10 = arith.cmpi slt, %jit3A, %sign3A_9 : i32
    %sign3A_11 = arith.extui %sign3A_10 : i1 to i32
    %sign3A_12 = arith.subi %sign3A_8, %sign3A_11 : i32
    %ne3A = arith.cmpi ne, %sign3A_5, %sign3A_12 : i32
    %rem3A = arith.remsi %arg0, %jit3A : i32
    %ne3A_13 = arith.constant 0 : i32
    %ne3A_14 = arith.cmpi ne, %rem3A, %ne3A_13 : i32
    %and3A = arith.andi %ne3A, %ne3A_14 : i1
    %sub3A = arith.constant 1 : i32
    %sub3A_15 = arith.subi %div3A, %sub3A : i32
    %select_n3A = arith.select %and3A, %sub3A_15, %div3A : i32
    %jit3A_16 = arith.constant 2 : i32
    %eq3A = arith.constant 0 : i32
    %eq3A_17 = arith.cmpi eq, %jit3A_16, %eq3A : i32
    %jit3A_18 = arith.constant 1 : i32
    %select_n3A_19 = arith.select %eq3A_17, %jit3A_18, %jit3A_16 : i32
    %rem3A_20 = arith.remsi %arg0, %select_n3A_19 : i32
    %ne3A_21 = arith.constant 0 : i32
    %ne3A_22 = arith.cmpi ne, %rem3A_20, %ne3A_21 : i32
    %lt3A = arith.constant 0 : i32
    %lt3A_23 = arith.cmpi slt, %rem3A_20, %lt3A : i32
    %lt3A_24 = arith.constant 0 : i32
    %lt3A_25 = arith.cmpi slt, %select_n3A_19, %lt3A_24 : i32
    %ne3A_26 = arith.xori %lt3A_23, %lt3A_25 : i1
    %and3A_27 = arith.andi %ne3A_26, %ne3A_22 : i1
    %add3A = arith.addi %rem3A_20, %select_n3A_19 : i32
    %select_n3A_28 = arith.select %and3A_27, %add3A, %rem3A_20 : i32
    %c0_i32 = arith.constant 0 : i32
    %c0_i32_29 = arith.constant 0 : i32
    %c0_i32_30 = arith.constant 0 : i32
    %c0_i32_31 = arith.constant 0 : i32
    return %select_n3A, %c0_i32, %select_n3A_28, %c0_i32_29, %c0_i32_30 : i32, i32, i32, i32, i32
  }
  func.func @transform_1(%arg0: i32) -> (i32, i32) {
    %c0_i32 = arith.constant 0 : i32
    %c0_i32_0 = arith.constant 0 : i32
    %c0_i32_1 = arith.constant 0 : i32
    return %c0_i32, %c0_i32_0 : i32, i32
  }
  func.func @transform_2(%arg0: i32) -> (i32, i32) {
    %c0_i32 = arith.constant 0 : i32
    %c0_i32_0 = arith.constant 0 : i32
    %c0_i32_1 = arith.constant 0 : i32
    return %c0_i32, %c0_i32_0 : i32, i32
  }
  func.func @transform_3(%arg0: i32) -> (i32, i32) {
    %c0_i32 = arith.constant 0 : i32
    %c0_i32_0 = arith.constant 0 : i32
    %c0_i32_1 = arith.constant 0 : i32
    return %c0_i32, %c0_i32_0 : i32, i32
  }
  func.func @transform_4(%arg0: i32) -> (i32, i32, i32) {
    %c0_i32 = arith.constant 0 : i32
    %c0_i32_0 = arith.constant 0 : i32
    %c0_i32_1 = arith.constant 0 : i32
    return %arg0, %c0_i32, %c0_i32_0 : i32, i32, i32
  }
  func.func @transform_5(%arg0: i32) -> (i32, i32) {
    %c0_i32 = arith.constant 0 : i32
    %c0_i32_0 = arith.constant 0 : i32
    %c0_i32_1 = arith.constant 0 : i32
    return %c0_i32, %c0_i32_0 : i32, i32
  }
  func.func @transform_6(%arg0: i32) -> (i32, i32) {
    %c0_i32 = arith.constant 0 : i32
    %c0_i32_0 = arith.constant 0 : i32
    %c0_i32_1 = arith.constant 0 : i32
    return %c0_i32, %c0_i32_0 : i32, i32
  }
}

</mosaic_0001>

<sc_bundles>
// kernel: kernel.4.cloned.1.call-start
scs
__scs_entry_jumppad:
0x0: {  	(pc) =	sbr.rel $0x88, $3  }
0x1: {  	(tag) =	ssettag $0x0;
	lr =	simm.s32 $0x1  }
0x2: {  	[smem:$0x3F9D] =	sst lr;
	_ =	strace $0xD0000000  }
0x3: {  	_ = 	snop  }
0x4: {  	_ = 	snop  }
0x5: {  	_ = 	snop  }
0x6: {  	_ = 	snop  }
0x7: {  	_ = 	snop  }
__scs_overlays_trampoline_lowered:
0x8: {  	[smem:$0x3FAC] =	sst s0  }
0x9: {  	[smem:$0x3FAD] =	sst s1  }
0xa: {  	[smem:$0x3FAE] =	sst s2  }
0xb: {  	[smem:$0x3FAF] =	sst s3  }
0xc: {  	[smem:$0x3FB0] =	sst s4  }
0xd: {  	[smem:$0x3FB1] =	sst s5  }
0xe: {  	[smem:$0x3FB2] =	sst s6  }
0xf: {  	[smem:$0x3FB3] =	sst s7  }
0x10: {  	[smem:$0x3FB4] =	sst s8  }
0x11: {  	[smem:$0x3FB5] =	sst s9;
	s0 =	simm.s32 @!p0 $0x0  }
0x12: {  	s1 =	sld [smem:$0x3F9B];
	s0 =	simm.s32 @p0 $0x1  }
0x13: {  	[smem:$0x3FB6] =	sst s0;
	s0 =	simm.s32 @!p1 $0x0  }
0x14: {  	s2 =	sld [smem:$0x3F9A];
	s0 =	simm.s32 @p1 $0x1  }
0x15: {  	[smem:$0x3FB7] =	sst s0;
	s0 =	simm.s32 @!p2 $0x0  }
0x16: {  	s3 =	sld [smem:$0x3FDB];
	s0 =	simm.s32 @p2 $0x1  }
0x17: {  	s4 =	simm.s32 $0x1BF5;
	[smem:$0x3FB9] =	sst s0  }
0x18: {  	s0 =	sld [smem:$0x3F9C];
	_ =	swait.ge [sflag:s4], $0x0  }
0x19: {  	s7 =	sld [smem:$0x3F9D]  }
0x1a: {  	s8 =	sadd.s32 $0xFFFFE003, lr  }
0x1b: {  	s9 =	sadd.s32 $0xFFFFFEF7, lr;
	s5 =	simm.s32 $0xFFFFFFFF;
	p2 =	slt.u32 s8, $0xFFFFF086  }
0x1c: {  	p1 =	slt.u32 s9, $0xF7A;
	s5 =	simm.s32 @!p2 $0x0  }
0x1d: {  	s5 =	simm.s32 @p1 $0x1;
	p0 =	seq.s32 s7, s2  }
0x1e: {  	s7 =	smul.u32 @!p0 $0xF7A, s2;
	p2 =	seq.s32 @!p0 s5, $0x0  }
0x1f: {  	s9 =	smul.u32 $0xF7A, s1;
	s8 =	simm.s32 @!p0 $0x1BF5;
	p2 =	por !p2, p0  }
0x20: {  	[sflag:s8] =	ssyncset.s32 @!p0 $0xFFFFF086;
	s6 =	sadd.s32 @!p0 s3, s7;
	s7 =	simm.s32 @!p0 $0x108  }
0x21: {  	s3 =	sadd.s32 s3, s9;
	s6 =	sadd.s32 @!p0 $0x88, s6;
	s7 =	simm.s32 @p2 $0x1082  }
0x22: {  	[simem:s7], [sflag:s8] =	dma.local @!p0 [hbm:s6], $0xF7A  }
0x23: {  	s9 =	sor.u32 $0xD0000000, s2;
	s6 =	simm.s32 $0x108;
	_ =	swait.ge @!p0 [sflag:s8], $0x0  }
0x24: {  	s3 =	sadd.s32 $0x88, s3;
	s6 =	simm.s32 @!p1 $0x1082;
	[sflag:s4] =	ssyncset.s32 $0xFFFFF086  }
0x25: {  	[simem:s6], [sflag:s4] =	dma.local [hbm:s3], $0xF7A  }
0x26: {  	[smem:$0x3F9D] =	sst s1;
	(tag) =	ssettag s2;
	_ =	strace s9  }
0x27: {  	s1 =	sld [smem:$0x3FAD]  }
0x28: {  	s2 =	sld [smem:$0x3FAE]  }
0x29: {  	s4 =	sld [smem:$0x3FB0]  }
0x2a: {  	p0 =	seq.s32 s5, $0x0;
	s5 =	sld [smem:$0x3FB1]  }
0x2b: {  	s6 =	sld [smem:$0x3FB2]  }
0x2c: {  	s7 =	sld [smem:$0x3FB3]  }
0x2d: {  	s3 =	simm.s32 $0x108;
	s8 =	sld [smem:$0x3FB4]  }
0x2e: {  	s3 =	simm.s32 @!p0 $0x1082;
	s9 =	sld [smem:$0x3FB5]  }
0x2f: {  	lr =	sadd.s32 s0, s3;
	s0 =	sld [smem:$0x3FAC]  }
0x30: {  	s3 =	sld [smem:$0x3FAF]  }
0x31: {  	[smem:$0x3FB8] =	sst s10  }
0x32: {  	s10 =	sld [smem:$0x3FB6];
	_ =	sdelay $0x3  }
0x33: {  	p0 =	seq.s32 s10, $0x1;
	s10 =	sld [smem:$0x3FB8];
	_ =	sdelay $0x3  }
0x34: {  	[smem:$0x3FB8] =	sst s10  }
0x35: {  	s10 =	sld [smem:$0x3FB7];
	_ =	sdelay $0x3  }
0x36: {  	p1 =	seq.s32 s10, $0x1;
	s10 =	sld [smem:$0x3FB8];
	_ =	sdelay $0x3  }
0x37: {  	[smem:$0x3FB8] =	sst s10  }
0x38: {  	s10 =	sld [smem:$0x3FB9]  }
0x39: {  	_ = 	snop;
	(pc) =	sbr.ind lr, $3  }
0x3a: {  	_ = 	snop  }
0x3b: {  	_ = 	snop  }
0x3c: {  	p2 =	seq.s32 s10, $0x1;
	s10 =	sld [smem:$0x3FB8]  }
0x3d: {  	_ =	shalt  }
0x3e: {  	_ =	shalt  }
0x3f: {  	_ =	shalt  }
0x40: {  	_ =	shalt  }
0x41: {  	_ =	shalt  }
0x42: {  	_ =	shalt  }
0x43: {  	_ =	shalt  }
0x44: {  	_ =	shalt  }
0x45: {  	_ =	shalt  }
0x46: {  	_ =	shalt  }
0x47: {  	_ =	shalt  }
0x48: {  	_ =	shalt  }
0x49: {  	_ =	shalt  }
0x4a: {  	_ =	shalt  }
0x4b: {  	_ =	shalt  }
0x4c: {  	_ =	shalt  }
0x4d: {  	_ =	shalt  }
0x4e: {  	_ =	shalt  }
0x4f: {  	_ =	shalt  }
0x50: {  	_ =	shalt  }
0x51: {  	_ =	shalt  }
0x52: {  	_ =	shalt  }
0x53: {  	_ =	shalt  }
0x54: {  	_ =	shalt  }
0x55: {  	_ =	shalt  }
0x56: {  	_ =	shalt  }
0x57: {  	_ =	shalt  }
0x58: {  	_ =	shalt  }
0x59: {  	_ =	shalt  }
0x5a: {  	_ =	shalt  }
0x5b: {  	_ =	shalt  }
0x5c: {  	_ =	shalt  }
0x5d: {  	_ =	shalt  }
0x5e: {  	_ =	shalt  }
0x5f: {  	_ =	shalt  }
0x60: {  	_ =	shalt  }
0x61: {  	_ =	shalt  }
0x62: {  	_ =	shalt  }
0x63: {  	_ =	shalt  }
0x64: {  	_ =	shalt  }
0x65: {  	_ =	shalt  }
0x66: {  	_ =	shalt  }
0x67: {  	_ =	shalt  }
0x68: {  	_ =	shalt  }
0x69: {  	_ =	shalt  }
0x6a: {  	_ =	shalt  }
0x6b: {  	_ =	shalt  }
0x6c: {  	_ =	shalt  }
0x6d: {  	_ =	shalt  }
0x6e: {  	_ =	shalt  }
0x6f: {  	_ =	shalt  }
0x70: {  	_ =	shalt  }
0x71: {  	_ =	shalt  }
0x72: {  	_ =	shalt  }
0x73: {  	_ =	shalt  }
0x74: {  	_ =	shalt  }
0x75: {  	_ =	shalt  }
0x76: {  	_ =	shalt  }
0x77: {  	_ =	shalt  }
0x78: {  	_ =	shalt  }
0x79: {  	_ =	shalt  }
0x7a: {  	_ =	shalt  }
0x7b: {  	_ =	shalt  }
0x7c: {  	_ =	shalt  }
0x7d: {  	_ =	shalt  }
0x7e: {  	_ =	shalt  }
0x7f: {  	_ =	shalt  }
0x80: {  	_ =	shalt  }
0x81: {  	_ =	shalt  }
0x82: {  	_ =	shalt  }
0x83: {  	_ =	shalt  }
0x84: {  	_ =	shalt  }
0x85: {  	_ =	shalt  }
0x86: {  	_ =	shalt  }
0x87: {  	_ =	shalt  }
.Lfunc_end0:
.L_simem_size_0:
called_computation_lowered:
.L_overlay_start_0:
0x88: {  	s2 =	sld [smem:$0x3FD9]  }
0x89: {  	s3 =	sld [smem:$0x3FFE];
	_ =	sdelay $0x1  }
0x8a: {  	s1 =	srdreg.scid  }
0x8b: {  	s0 =	sand.u32 $0x1, s1  }
0x8c: {  	s14 =	sshll.u32 s0, $0xA;
	s2 =	sadd.s32 s3, s2  }
0x8d: {  	s2 =	sadd.s32 s2, s14  }
0x8e: {  	[smem:$0x3FC4] =	sst s2  }
0x8f: {  	_ = 	snop  }
0x90: {  	s2 =	sld [smem:$0x3FD0];
	_ =	sdelay $0x2  }
0x91: {  	s15 =	simm.s32 $0xA;
	s4 =	simm.s32 $0x10  }
0x92: {  	[smem:s4], [sflag:s15] =	dma.local [hbm:s2], $0x1  }
0x93: {  	_ =	swait.eq [sflag:s15], $0x1  }
0x94: {  	[sflag:s15] =	ssyncset.done $0x0  }
0x95: {  	[sflag:s15] =	ssyncadd.s32 $0xFFFFFFFF  }
0x96: {  	s16 =	sld [smem:$0x10];
	(tm) =	ssettm $0x1  }
0x97: {  	s17 =	sld [smem:$0x3FFB];
	_ =	sdelay $0x3  }
0x98: {  	_ =	strace s17  }
0x99: {  	s3 =	sld [smem:$0x3FFC];
	_ =	sdelay $0x3  }
0x9a: {  	_ =	strace s3  }
0x9b: {  	s3 =	sld [smem:$0x3FFD];
	_ =	sdelay $0x3  }
0x9c: {  	_ =	strace s3  }
0x9d: {  	_ =	strace $0x8FFFFFFF  }
0x9e: {  	s18 =	sld [smem:$0x3FDB];
	_ =	sdelay $0x1  }
0x9f: {  	s19 =	simm.s32 $_scs_section_size  }
0xa0: {  	s5 =	simm.s32 $_size__tile_overlayer_lowered;
	s6 =	simm.s32 $_tile_overlayer_lowered  }
0xa1: {  	s22 =	simm.s32 $0x1BFF;
	s21 =	sshll.u32 s6, $0x1;
	s3 =	sadd.s32 s19, s18  }
0xa2: {  	s7 =	simm.s32 $0x0;
	s20 =	sshll.u32 s5, $0x1;
	s5 =	sadd.s32 s21, s3  }
0xa3: {  	[timem:s7], [sflag:s22] =	dma.local [hbm:s5], s20  }
0xa4: {  	_ =	swait.ge [sflag:s22], s20  }
0xa5: {  	s4 =	ssub.s32 $0x0, s20;
	[sflag:s22] =	ssyncset.done $0x0  }
0xa6: {  	[sflag:s22] =	ssyncadd.s32 s4;
	_ =	sdelay $0x1  }
0xa7: {  	s23 =	simm.s32 $0x1B8B  }
0xa8: {  	_ =	swait.ge [sflag:s23], $0x1  }
0xa9: {  	[sflag:s23] =	ssyncset.done $0x0  }
0xaa: {  	s25 =	simm.s32 $0x1B8E;
	s24 =	sld [smem:$0x3FFE];
	[sflag:s23] =	ssyncadd.s32 $0xFFFFFFFF  }
0xab: {  	s26 =	simm.s32 $execute0_lowered;
	[smem:$0x3FD2] =	sst s25  }
0xac: {  	s5 =	sshll.u32 s26, $0x1;
	_ =	strace $0x80000046;
	[dreg:$0x1] =	wrdreg $0xFFFFFFFF  }
0xad: {  	s28 =	simm.s32 $_size_execute0_lowered;
	s3 =	sadd.s32 s3, s5;
	[dreg:$0x0] =	wrdreg $0x0  }
0xae: {  	s5 =	sshll.u32 s28, $0x1;
	[dreg:$0x2] =	wrdreg s3  }
0xaf: {  	[dreg:$0x3] =	wrdreg s5  }
0xb0: {  	[dreg:$0x4] =	wrdreg $0xC0  }
0xb1: {  	_ =	task [dreg:s7], $0x5FFFF  }
0xb2: {  	[dreg:$0x1] =	wrdreg $0xFFFFFFFF  }
0xb3: {  	[dreg:$0x0] =	wrdreg $0x60  }
0xb4: {  	[dreg:$0x2] =	wrdreg s24  }
0xb5: {  	[dreg:$0x3] =	wrdreg s16  }
0xb6: {  	[dreg:$0x4] =	wrdreg $0x9  }
0xb7: {  	_ =	task.clear_ibuf [dreg:s7], $0x5FFFF;
	_ =	strace $0x90000046  }
0xb8: {  	s29 =	simm.s32 $0x9;
	_ =	strace $0x80000048  }
0xb9: {  	_ =	swait.ge [sflag:s29], $0x1  }
0xba: {  	[sflag:s29] =	ssyncadd.s32 $0xFFFFFFFF  }
0xbb: {  	_ =	strace $0x90000048  }
0xbc: {  	_ =	sfence  }
0xbd: {  	s30 =	sld [smem:$0x0];
	_ =	sdelay $0x2  }
0xbe: {  	s31 =	sshll.u32 s1, $0xD;
	s1 =	sshrl.u32 s1, $0x2  }
0xbf: {  	s3 =	sand.u32 $0x4000, s31;
	s1 =	sadd.s32 s1, s30  }
0xc0: {  	s0 =	sor.u32 s3, s0;
	s1 =	sshll.u32 s1, $0x11  }
0xc1: {  	s0 =	sor.u32 s1, s0  }
0xc2: {  	s0 =	sadd.s32 $0x8F2B, s0  }
0xc3: {  	[sflag:s0] =	ssyncadd.remote.s32 $0x1  }
0xc4: {  	_ =	sfence.sel $0xFFFF  }
0xc5: {  	[dreg:$0x0] =	wrdreg $0xFFFFFFFF;
	(pc) =	sbr.abs _section_cstart, $3  }
0xc6: {  	[dreg:$0x1] =	wrdreg $0xFFFFFFFF  }
0xc7: {  	_ =	task.clear_ibuf [dreg:s7], $0x2FFFF;
	_ =	strace $0x9FFFFFFF  }
0xc8: {  	(tm) =	ssettm $0x7FFFFFFF  }
0xc9: {  	_ =	shalt  }
tec
execute0_lowered:
.L_overlay_start_1:
0x0: {  	(tag) =	ssettag $0x1  }
0x1: {  	s1 =	srdreg.scid;
	s0 =	stileid.u32  }
0x2: {  	s5 =	rddreg [dreg:$0x0];
	s19 =	sand.u32 $0x1, s1;
	s31 =	sshll.u32 s0, $0x1  }
0x3: {  	s14 =	rddreg [dreg:$0x1];
	s15 =	sor.u32 s19, s31  }
0x4: {  	s2 =	simm.s32 $0x0;
	s1 =	rddreg [dreg:$0x2];
	s3 =	sshll.u32 s15, $0x7  }
0x5: {  	[smem:$0x7FF] =	sst s2;
	s3 =	sadd.s32 s3, s5  }
0x6: {  	_ =	strace $0x80000047;
	s4 =	sadd.s32 $0x4E00, s3;
	s3 =	simm.s32 $0x2  }
0x7: {  	[tilespmem:s2], [sflag:$0x2] =	stream.linear.gather [hbm4b:s4+s2], $0x400, $0x38;
	[tilespmem:$0x10400] =	vst v63  }
0x8: {  	_ =	swait.ge [sflag:s3], $0x400  }
0x9: {  	s6 =	simm.s32 $0x80;
	[sflag:s3] =	ssyncset.done $0x0  }
0xa: {  	s7 =	simm.s32 $0x400;
	s5 =	sadd.s32 $0xE00, s5;
	[sflag:s3] =	ssyncadd.s32 $0xFFFFFC00  }
0xb: {  	[tilespmem:s7], [sflag:$0x1] =	stream.indirect.gather [hbm4b:s5+s6], $0x80, s2, s6, $0xb8;
	[tilespmem:$0x10400] =	vst v63  }
0xc: {  	s8 =	simm.s32 $0x4400  }
0xd: {  	[tilespmem:s8], [sflag:$0x1] =	stream.indirect.gather [hbm4b:s5+s6], $0x80, s6, s6, $0xb8;
	[tilespmem:$0x10400] =	vst v63  }
0xe: {  	s9 =	simm.s32 $0x100;
	s10 =	simm.s32 $0x8400  }
0xf: {  	[tilespmem:s10], [sflag:$0x1] =	stream.indirect.gather [hbm4b:s5+s6], $0x80, s9, s6, $0xb8;
	[tilespmem:$0x10400] =	vst v63  }
0x10: {  	s11 =	simm.s32 $0x180;
	s12 =	simm.s32 $0xC400;
	s13 =	simm.s32 $0x1  }
0x11: {  	[tilespmem:s12], [sflag:$0x1] =	stream.indirect.gather [hbm4b:s5+s6], $0x80, s11, s6, $0xb8;
	[tilespmem:$0x10400] =	vst v63  }
0x12: {  	_ =	swait.ge [sflag:s13], $0x4000  }
0x13: {  	[sflag:s13] =	ssyncset.done $0x0  }
0x14: {  	[sflag:s13] =	ssyncadd.s32 $0xFFFFC000  }
0x15: {  	_ =	swait.ge [sflag:s13], $0x4000  }
0x16: {  	[sflag:s13] =	ssyncset.done $0x0  }
0x17: {  	[sflag:s13] =	ssyncadd.s32 $0xFFFFC000  }
0x18: {  	_ =	swait.ge [sflag:s13], $0x4000  }
0x19: {  	[sflag:s13] =	ssyncset.done $0x0  }
0x1a: {  	[sflag:s13] =	ssyncadd.s32 $0xFFFFC000  }
0x1b: {  	_ =	swait.ge [sflag:s13], $0x4000  }
0x1c: {  	s15 =	sshll.u32 s15, $0xE;
	[sflag:s13] =	ssyncset.done $0x0  }
0x1d: {  	s14 =	sadd.s32 s14, s15;
	[sflag:s13] =	ssyncadd.s32 $0xFFFFC000  }
0x1e: {  	[hbm4b:s14+s2] =	stream.linear.scatter [tilespmem:s7], [sflag:$0x2], $0x10000, $0x38;
	[tilespmem:$0x10400] =	vst v63  }
0x1f: {  	_ =	swait.ge [sflag:s3], $0x10000  }
0x20: {  	[sflag:s3] =	ssyncset.done $0x0  }
0x21: {  	s15 =	simm.s32 $0x200;
	[sflag:s3] =	ssyncadd.s32 $0xFFFF0000  }
0x22: {  	[tilespmem:s7], [sflag:$0x1] =	stream.indirect.gather [hbm4b:s5+s6], $0x80, s15, s6, $0xb8;
	[tilespmem:$0x10400] =	vst v63  }
0x23: {  	s16 =	simm.s32 $0x280  }
0x24: {  	[tilespmem:s8], [sflag:$0x1] =	stream.indirect.gather [hbm4b:s5+s6], $0x80, s16, s6, $0xb8;
	[tilespmem:$0x10400] =	vst v63  }
0x25: {  	s17 =	simm.s32 $0x300  }
0x26: {  	[tilespmem:s10], [sflag:$0x1] =	stream.indirect.gather [hbm4b:s5+s6], $0x80, s17, s6, $0xb8;
	[tilespmem:$0x10400] =	vst v63  }
0x27: {  	s18 =	simm.s32 $0x380  }
0x28: {  	[tilespmem:s12], [sflag:$0x1] =	stream.indirect.gather [hbm4b:s5+s6], $0x80, s18, s6, $0xb8;
	[tilespmem:$0x10400] =	vst v63  }
0x29: {  	_ =	swait.ge [sflag:s13], $0x4000  }
0x2a: {  	[sflag:s13] =	ssyncset.done $0x0  }
0x2b: {  	[sflag:s13] =	ssyncadd.s32 $0xFFFFC000  }
0x2c: {  	_ =	swait.ge [sflag:s13], $0x4000  }
0x2d: {  	[sflag:s13] =	ssyncset.done $0x0  }
0x2e: {  	s19 =	ssub.s32 $0x2, s19;
	[sflag:s13] =	ssyncadd.s32 $0xFFFFC000  }
0x2f: {  	s20 =	sshrl.u32 s19, $0x1;
	_ =	swait.ge [sflag:s13], $0x4000  }
0x30: {  	s20 =	ssub.s32 s19, s20;
	[sflag:s13] =	ssyncset.done $0x0  }
0x31: {  	s20 =	smax.u32 s20, $0x1;
	[sflag:s13] =	ssyncadd.s32 $0xFFFFC000  }
0x32: {  	p0 =	sne.s32 s20, $0x1;
	_ =	swait.ge [sflag:s13], $0x4000  }
.Ltmp0:
0x33: {  	[sflag:s13] =	ssyncset.done $0x0;
	(pc) =	sbr.rel @!p0 .LBB2_2-.Ltmp0, $4  }
0x34: {  	s19 =	sadd.s32 $0x2000, s14;
	[sflag:s13] =	ssyncadd.s32 $0xFFFFC000  }
0x35: {  	[hbm4b:s19+s2] =	stream.linear.scatter [tilespmem:s7], [sflag:$0x2], $0x10000, $0x38;
	[tilespmem:$0x10400] =	vst v63  }
0x36: {  	_ =	swait.ge [sflag:s3], $0x10000  }
0x37: {  	s20 =	sadd.s32 $0xFFFFFFFF, s20;
	[sflag:s3] =	ssyncset.done $0x0  }
.LBB2_1:
0x38: {  	p0 =	sne.s32 s20, $0x1;
	s20 =	sadd.s32 $0xFFFFFFFF, s20;
	[sflag:s3] =	ssyncadd.s32 $0xFFFF0000  }
0x39: {  	[tilespmem:s2], [sflag:$0x2] =	stream.linear.gather [hbm4b:s4+s2], $0x400, $0x38;
	[tilespmem:$0x10400] =	vst v63  }
0x3a: {  	_ =	swait.ge [sflag:s3], $0x400  }
0x3b: {  	[sflag:s3] =	ssyncset.done $0x0  }
0x3c: {  	[sflag:s3] =	ssyncadd.s32 $0xFFFFFC00  }
0x3d: {  	[tilespmem:s7], [sflag:$0x1] =	stream.indirect.gather [hbm4b:s5+s6], $0x80, s2, s6, $0xb8;
	[tilespmem:$0x10400] =	vst v63  }
0x3e: {  	_ = 	snop  }
0x3f: {  	[tilespmem:s8], [sflag:$0x1] =	stream.indirect.gather [hbm4b:s5+s6], $0x80, s6, s6, $0xb8;
	[tilespmem:$0x10400] =	vst v63  }
0x40: {  	_ = 	snop  }
0x41: {  	[tilespmem:s10], [sflag:$0x1] =	stream.indirect.gather [hbm4b:s5+s6], $0x80, s9, s6, $0xb8;
	[tilespmem:$0x10400] =	vst v63  }
0x42: {  	_ = 	snop  }
0x43: {  	[tilespmem:s12], [sflag:$0x1] =	stream.indirect.gather [hbm4b:s5+s6], $0x80, s11, s6, $0xb8;
	[tilespmem:$0x10400] =	vst v63  }
0x44: {  	_ =	swait.ge [sflag:s13], $0x4000  }
0x45: {  	[sflag:s13] =	ssyncset.done $0x0  }
0x46: {  	[sflag:s13] =	ssyncadd.s32 $0xFFFFC000  }
0x47: {  	_ =	swait.ge [sflag:s13], $0x4000  }
0x48: {  	[sflag:s13] =	ssyncset.done $0x0  }
0x49: {  	[sflag:s13] =	ssyncadd.s32 $0xFFFFC000  }
0x4a: {  	_ =	swait.ge [sflag:s13], $0x4000  }
0x4b: {  	[sflag:s13] =	ssyncset.done $0x0  }
0x4c: {  	[sflag:s13] =	ssyncadd.s32 $0xFFFFC000  }
0x4d: {  	_ =	swait.ge [sflag:s13], $0x4000  }
0x4e: {  	[sflag:s13] =	ssyncset.done $0x0  }
0x4f: {  	[sflag:s13] =	ssyncadd.s32 $0xFFFFC000  }
0x50: {  	[hbm4b:s14+s2] =	stream.linear.scatter [tilespmem:s7], [sflag:$0x2], $0x10000, $0x38;
	[tilespmem:$0x10400] =	vst v63  }
0x51: {  	_ =	swait.ge [sflag:s3], $0x10000  }
0x52: {  	[sflag:s3] =	ssyncset.done $0x0  }
0x53: {  	[sflag:s3] =	ssyncadd.s32 $0xFFFF0000  }
0x54: {  	[tilespmem:s7], [sflag:$0x1] =	stream.indirect.gather [hbm4b:s5+s6], $0x80, s15, s6, $0xb8;
	[tilespmem:$0x10400] =	vst v63  }
0x55: {  	_ = 	snop  }
0x56: {  	[tilespmem:s8], [sflag:$0x1] =	stream.indirect.gather [hbm4b:s5+s6], $0x80, s16, s6, $0xb8;
	[tilespmem:$0x10400] =	vst v63  }
0x57: {  	_ = 	snop  }
0x58: {  	[tilespmem:s10], [sflag:$0x1] =	stream.indirect.gather [hbm4b:s5+s6], $0x80, s17, s6, $0xb8;
	[tilespmem:$0x10400] =	vst v63  }
0x59: {  	_ = 	snop  }
0x5a: {  	[tilespmem:s12], [sflag:$0x1] =	stream.indirect.gather [hbm4b:s5+s6], $0x80, s18, s6, $0xb8;
	[tilespmem:$0x10400] =	vst v63  }
0x5b: {  	_ =	swait.ge [sflag:s13], $0x4000  }
0x5c: {  	[sflag:s13] =	ssyncset.done $0x0  }
0x5d: {  	[sflag:s13] =	ssyncadd.s32 $0xFFFFC000  }
0x5e: {  	_ =	swait.ge [sflag:s13], $0x4000  }
0x5f: {  	[sflag:s13] =	ssyncset.done $0x0  }
0x60: {  	[sflag:s13] =	ssyncadd.s32 $0xFFFFC000  }
0x61: {  	_ =	swait.ge [sflag:s13], $0x4000  }
0x62: {  	[sflag:s13] =	ssyncset.done $0x0  }
0x63: {  	[sflag:s13] =	ssyncadd.s32 $0xFFFFC000  }
0x64: {  	_ =	swait.ge [sflag:s13], $0x4000  }
.Ltmp1:
0x65: {  	[sflag:s13] =	ssyncset.done $0x0;
	(pc) =	sbr.rel @p0 .LBB2_1-.Ltmp1, $4  }
0x66: {  	[sflag:s13] =	ssyncadd.s32 $0xFFFFC000  }
0x67: {  	[hbm4b:s19+s2] =	stream.linear.scatter [tilespmem:s7], [sflag:$0x2], $0x10000, $0x38;
	[tilespmem:$0x10400] =	vst v63  }
0x68: {  	_ =	swait.ge [sflag:s3], $0x10000  }
0x69: {  	[sflag:s3] =	ssyncset.done $0x0  }
.LBB2_2:
0x6a: {  	[sflag:s3] =	ssyncadd.s32 $0xFFFF0000  }
0x6b: {  	_ =	sfence.sel $0x180000  }
0x6c: {  	[bflag:$0x0] =	sbarrier.arrive $0xFFFF  }
0x6d: {  	p0 =	sne.s32 s0, $0x0;
	_ =	strace $0x90000047  }
0x6e: {  	s0 =	sadd.s32 @!p0 $0x100000, s1;
	[bflag:$0x2] =	sbarrier.arrive $0xFFFF  }
0x6f: {  	[sflag:s0] =	ssyncadd.tile.s32 @!p0 $0x1;
	_ =	shalt  }
.Lfunc_end2:
_tile_overlayer_lowered:
.L_overlay_start_2:
0x70: {  	(tag) =	ssettag $0x2  }
0x71: {  	s0 =	rddreg [dreg:$0x0];
	s2 =	stileid.u32  }
0x72: {  	s1 =	rddreg [dreg:$0x1];
	p0 =	sne.s32 s2, $0x0  }
0x73: {  	s3 =	rddreg [dreg:$0x2];
	[bflag:$0x3] =	sbarrier.arrive $0xFFFF;
	s2 =	simm.s32 @!p0 $0x1C02  }
0x74: {  	[timem:s3], [sflag:s2] =	dma.local @!p0 [hbm:s0], s1  }
0x75: {  	s0 =	simm.s32 @!p0 $0x2  }
0x76: {  	_ =	swait.ge @!p0 [sflag:s0], s1  }
0x77: {  	s1 =	ssub.s32 @!p0 $0x0, s1;
	[sflag:s0] =	ssyncset.done @!p0 $0x0  }
0x78: {  	[sflag:s0] =	ssyncadd.s32 @!p0 s1  }
0x79: {  	[bflag:$0x3] =	sbarrier.arrive $0xFFFF  }
0x7a: {  	_ =	shalt  }

</sc_bundles>
